<compile_context>
chip_gen: v7x
topology: tpu7x:2x2x1
jax: 0.10.2.dev20260603
libtpu: 0.0.44.dev20260713+nightly
codegen_flags: <defaults>
</compile_context>

<pallas_src>
import functools

import jax
import jax.numpy as jnp
from jax import lax
from jax.experimental import pallas as pl
from jax.experimental.pallas import tpu as pltpu
from jax.experimental.pallas import tpu_sc as plsc

N_NODES = 10000
N_EDGES = 320000
D = 128

NC = 2
NS = 16
NW = NC * NS

CHUNK = 128
CHUNKS_PER_W = 79
EPW = CHUNK * CHUNKS_PER_W
REAL_PER_W = N_EDGES // NW
PAD_PER_W = EPW - REAL_PER_W

N_ACC = 12288
ROWS_PER_TILE = N_ACC // NS
GARB_PER_W = (N_ACC - N_NODES) // NS


def _mm_body(f_ref, w_ref, o_ref):
    o_ref[...] = jnp.dot(f_ref[...], w_ref[...],
                         preferred_element_type=jnp.float32)


def _project(feat, W):
    return pl.pallas_call(
        _mm_body,
        grid=(10,),
        in_specs=[pl.BlockSpec((1000, D), lambda i: (i, 0)),
                  pl.BlockSpec((D, D), lambda i: (0, 0))],
        out_specs=pl.BlockSpec((1000, D), lambda i: (i, 0)),
        out_shape=jax.ShapeDtypeStruct((N_NODES, D), jnp.float32),
    )(feat, W)


def _combine_body(p_ref, o_ref):
    o_ref[...] = p_ref[0] + p_ref[1]


def _combine(parts):
    return pl.pallas_call(
        _combine_body,
        grid=(10,),
        in_specs=[pl.BlockSpec((2, 1000, D), lambda i: (0, i, 0))],
        out_specs=pl.BlockSpec((1000, D), lambda i: (i, 0)),
        out_shape=jax.ShapeDtypeStruct((N_NODES, D), jnp.float32),
    )(parts)


def _sc_body(h_hbm, ei_hbm, out_hbm, idx2a, idx2b, rows0, part_sh, sg0,
             si):
    cid = lax.axis_index("c")
    sid = lax.axis_index("s")
    wid = sid * NC + cid

    z = jnp.zeros((16,), jnp.float32)

    def zero_body(r, carry):
        for j in range(D // 16):
            rows0[r, pl.ds(j * 16, 16)] = z
        return carry

    lax.fori_loop(0, CHUNK, zero_body, 0)
    tb = sid * ROWS_PER_TILE
    for r in range(ROWS_PER_TILE // CHUNK):
        pltpu.sync_copy(rows0, part_sh.at[pl.ds(tb + r * CHUNK, CHUNK)])
    plsc.subcore_barrier()

    def gs(idx2):
        pltpu.async_copy(h_hbm.at[idx2.at[0]], rows0, sg0).wait()
        pltpu.sync_copy(rows0, part_sh.at[idx2.at[1]], add=True)

    pltpu.sync_copy(ei_hbm.at[wid, 0], idx2a)

    def edge_body(g, carry):
        c0 = 2 * g
        pltpu.async_copy(ei_hbm.at[wid, c0 + 1], idx2b, si)
        gs(idx2a)
        pltpu.make_async_copy(ei_hbm.at[wid, 0], idx2b, si).wait()
        pltpu.async_copy(ei_hbm.at[wid, c0 + 2], idx2a, si)
        gs(idx2b)
        pltpu.make_async_copy(ei_hbm.at[wid, 0], idx2a, si).wait()
        return carry

    lax.fori_loop(0, (CHUNKS_PER_W - 1) // 2, edge_body, 0)
    gs(idx2a)
    plsc.subcore_barrier()

    pltpu.sync_copy(part_sh.at[pl.ds(tb, ROWS_PER_TILE)],
                    out_hbm.at[cid, pl.ds(tb, ROWS_PER_TILE)])


_sc_message_passing = functools.partial(
    pl.kernel,
    mesh=plsc.VectorSubcoreMesh(core_axis_name="c", subcore_axis_name="s"),
    out_type=jax.ShapeDtypeStruct((NC, N_ACC, D), jnp.float32),
    scratch_types=[
        pltpu.VMEM((2, CHUNK), jnp.int32),
        pltpu.VMEM((2, CHUNK), jnp.int32),
        pltpu.VMEM((CHUNK, D), jnp.float32),
        pltpu.VMEM_SHARED((N_ACC, D), jnp.float32),
        pltpu.SemaphoreType.DMA,
        pltpu.SemaphoreType.DMA,
    ],
)(_sc_body)


def kernel(feat, edge_index, W):
    src = edge_index[0].astype(jnp.int32).reshape(NW, REAL_PER_W)
    dst = edge_index[1].astype(jnp.int32).reshape(NW, REAL_PER_W)
    w = jnp.arange(NW, dtype=jnp.int32)[:, None]
    pad_src = jnp.zeros((NW, PAD_PER_W), jnp.int32)
    pad_dst = (N_NODES + (w // 2) * GARB_PER_W
               + jnp.arange(PAD_PER_W, dtype=jnp.int32)[None, :] % GARB_PER_W)
    src_p = jnp.concatenate([src, pad_src], axis=1).reshape(
        NW, CHUNKS_PER_W, CHUNK)
    dst_p = jnp.concatenate([dst, pad_dst], axis=1).reshape(
        NW, CHUNKS_PER_W, CHUNK)
    ei = jnp.stack([src_p, dst_p], axis=2)
    h = _project(feat, W)
    parts = _sc_message_passing(h, ei)
    return _combine(parts)

# --- scband reference (transcript-rebuilt; emitter-appended) ---
"""Pipeline reference for scband-graph-conv-18030272708827 (READ-ONLY COPY).

The authoritative reference and input builder live on the scoring server;
editing this copy changes nothing except your own understanding.
"""

import jax, jax.numpy as jnp
import numpy as np

N_NODES = 10000
N_EDGES = 320000
D_IN = 128
D_OUT = 128

def setup_inputs(seed: int = 0) -> dict:
    key = jax.random.key(seed)
    k1, k2, k3 = jax.random.split(key, 3)
    feat = jax.random.normal(k1, (N_NODES, D_IN), dtype=jnp.float32)
    edge_index = jax.random.randint(k2, (2, N_EDGES), 0, N_NODES, dtype=jnp.int64)
    # Dense layer weight (no bias), glorot-like init
    W = jax.random.normal(k3, (D_IN, D_OUT), dtype=jnp.float32) * (1.0 / np.sqrt(D_IN))
    return {"feat": feat, "edge_index": edge_index, "W": W}

def reference(feat, edge_index, W):
    # Dense projection (no bias)
    h = feat @ W
    # copy_src -> sum aggregation: messages from src nodes summed at dst nodes
    src = edge_index[0]
    dst = edge_index[1]
    msgs = jnp.take(h, src, axis=0)
    rst = jax.ops.segment_sum(msgs, dst, num_segments=N_NODES)
    return rst

if __name__ == "__main__":
    import jax
    _d = setup_inputs()
    print(jax.jit(kernel)(*tuple(_d.values())))

</pallas_src>

<mosaic_0001>
#map = affine_map<(d0, d1) -> (0, 0)>
#map1 = affine_map<(d0, d1) -> (0, 0, 0, 0)>
#map2 = affine_map<(d0, d1) -> (0, 0, 0)>
module attributes {stable_mosaic.version = 14 : i64} {
  func.func @_sc_body(%arg0: i32, %arg1: i32, %arg2: memref<10000x128xf32, #tpu.memory_space<hbm>>, %arg3: memref<32x79x2x128xi32, #tpu.memory_space<hbm>>, %arg4: memref<2x12288x128xf32, #tpu.memory_space<hbm>>, %arg5: memref<2x128xi32, #tpu.memory_space<vmem>>, %arg6: memref<2x128xi32, #tpu.memory_space<vmem>>, %arg7: memref<128x128xf32, #tpu.memory_space<vmem>>, %arg8: memref<12288x128xf32, #tpu.memory_space<vmem_shared>>, %arg9: memref<!tpu.dma_semaphore, #tpu.memory_space<semaphore_mem>>, %arg10: memref<!tpu.dma_semaphore, #tpu.memory_space<semaphore_mem>>) attributes {dimension_semantics = [#tpu.dimension_semantics<core_parallel>, #tpu.dimension_semantics<subcore_parallel>], iteration_bounds = array<i64: 2, 16>, scalar_prefetch = 0 : i64, scratch_operands = 6 : i64, tpu.core_type = #tpu.core_type<sc_vector_subcore>, window_params = [{transform_indices = #map}, {transform_indices = #map1}, {transform_indices = #map2}]} {
    %mul3A = arith.constant 2 : i32
    %mul3A_0 = arith.muli %arg1, %mul3A : i32
    %add3A = arith.addi %mul3A_0, %arg0 : i32
    %broadcast_in_dim3A = arith.constant 0.000000e+00 : f32
    %broadcast_in_dim3A_1 = vector.broadcast %broadcast_in_dim3A : f32 to vector<16xf32>
    %scan3A = arith.constant 0 : i32
    %scan3A_2 = arith.constant 0 : i32
    %scan3A_3 = arith.constant 128 : i32
    %scan3A_4 = arith.addi %scan3A_2, %scan3A_3 : i32
    %scan3A_5 = arith.constant 1 : i32
    scf.for %scan3A_41 = %scan3A_2 to %scan3A_4 step %scan3A_5  : i32 {
      %swap3A = arith.index_cast %scan3A_41 : i32 to index
      %swap3A_42 = arith.constant 0 : index
      %swap3A_43 = tpu.vector_load %arg7[%swap3A, %swap3A_42] {strides = array<i32>} : memref<128x128xf32, #tpu.memory_space<vmem>>, vector<1x16xf32>,
      %swap3A_44 = vector.shape_cast %swap3A_43 : vector<1x16xf32> to vector<16xf32>
      %swap3A_45 = vector.shape_cast %broadcast_in_dim3A_1 : vector<16xf32> to vector<1x16xf32>
      tpu.vector_store %arg7[%swap3A, %swap3A_42], %swap3A_45 {strides = array<i32>} : memref<128x128xf32, #tpu.memory_space<vmem>>, vector<1x16xf32>,
      %swap3A_46 = arith.index_cast %scan3A_41 : i32 to index
      %swap3A_47 = arith.constant 16 : index
      %swap3A_48 = tpu.vector_load %arg7[%swap3A_46, %swap3A_47] {strides = array<i32>} : memref<128x128xf32, #tpu.memory_space<vmem>>, vector<1x16xf32>,
      %swap3A_49 = vector.shape_cast %swap3A_48 : vector<1x16xf32> to vector<16xf32>
      %swap3A_50 = vector.shape_cast %broadcast_in_dim3A_1 : vector<16xf32> to vector<1x16xf32>
      tpu.vector_store %arg7[%swap3A_46, %swap3A_47], %swap3A_50 {strides = array<i32>} : memref<128x128xf32, #tpu.memory_space<vmem>>, vector<1x16xf32>,
      %swap3A_51 = arith.index_cast %scan3A_41 : i32 to index
      %swap3A_52 = arith.constant 32 : index
      %swap3A_53 = tpu.vector_load %arg7[%swap3A_51, %swap3A_52] {strides = array<i32>} : memref<128x128xf32, #tpu.memory_space<vmem>>, vector<1x16xf32>,
      %swap3A_54 = vector.shape_cast %swap3A_53 : vector<1x16xf32> to vector<16xf32>
      %swap3A_55 = vector.shape_cast %broadcast_in_dim3A_1 : vector<16xf32> to vector<1x16xf32>
      tpu.vector_store %arg7[%swap3A_51, %swap3A_52], %swap3A_55 {strides = array<i32>} : memref<128x128xf32, #tpu.memory_space<vmem>>, vector<1x16xf32>,
      %swap3A_56 = arith.index_cast %scan3A_41 : i32 to index
      %swap3A_57 = arith.constant 48 : index
      %swap3A_58 = tpu.vector_load %arg7[%swap3A_56, %swap3A_57] {strides = array<i32>} : memref<128x128xf32, #tpu.memory_space<vmem>>, vector<1x16xf32>,
      %swap3A_59 = vector.shape_cast %swap3A_58 : vector<1x16xf32> to vector<16xf32>
      %swap3A_60 = vector.shape_cast %broadcast_in_dim3A_1 : vector<16xf32> to vector<1x16xf32>
      tpu.vector_store %arg7[%swap3A_56, %swap3A_57], %swap3A_60 {strides = array<i32>} : memref<128x128xf32, #tpu.memory_space<vmem>>, vector<1x16xf32>,
      %swap3A_61 = arith.index_cast %scan3A_41 : i32 to index
      %swap3A_62 = arith.constant 64 : index
      %swap3A_63 = tpu.vector_load %arg7[%swap3A_61, %swap3A_62] {strides = array<i32>} : memref<128x128xf32, #tpu.memory_space<vmem>>, vector<1x16xf32>,
      %swap3A_64 = vector.shape_cast %swap3A_63 : vector<1x16xf32> to vector<16xf32>
      %swap3A_65 = vector.shape_cast %broadcast_in_dim3A_1 : vector<16xf32> to vector<1x16xf32>
      tpu.vector_store %arg7[%swap3A_61, %swap3A_62], %swap3A_65 {strides = array<i32>} : memref<128x128xf32, #tpu.memory_space<vmem>>, vector<1x16xf32>,
      %swap3A_66 = arith.index_cast %scan3A_41 : i32 to index
      %swap3A_67 = arith.constant 80 : index
      %swap3A_68 = tpu.vector_load %arg7[%swap3A_66, %swap3A_67] {strides = array<i32>} : memref<128x128xf32, #tpu.memory_space<vmem>>, vector<1x16xf32>,
      %swap3A_69 = vector.shape_cast %swap3A_68 : vector<1x16xf32> to vector<16xf32>
      %swap3A_70 = vector.shape_cast %broadcast_in_dim3A_1 : vector<16xf32> to vector<1x16xf32>
      tpu.vector_store %arg7[%swap3A_66, %swap3A_67], %swap3A_70 {strides = array<i32>} : memref<128x128xf32, #tpu.memory_space<vmem>>, vector<1x16xf32>,
      %swap3A_71 = arith.index_cast %scan3A_41 : i32 to index
      %swap3A_72 = arith.constant 96 : index
      %swap3A_73 = tpu.vector_load %arg7[%swap3A_71, %swap3A_72] {strides = array<i32>} : memref<128x128xf32, #tpu.memory_space<vmem>>, vector<1x16xf32>,
      %swap3A_74 = vector.shape_cast %swap3A_73 : vector<1x16xf32> to vector<16xf32>
      %swap3A_75 = vector.shape_cast %broadcast_in_dim3A_1 : vector<16xf32> to vector<1x16xf32>
      tpu.vector_store %arg7[%swap3A_71, %swap3A_72], %swap3A_75 {strides = array<i32>} : memref<128x128xf32, #tpu.memory_space<vmem>>, vector<1x16xf32>,
      %swap3A_76 = arith.index_cast %scan3A_41 : i32 to index
      %swap3A_77 = arith.constant 112 : index
      %swap3A_78 = tpu.vector_load %arg7[%swap3A_76, %swap3A_77] {strides = array<i32>} : memref<128x128xf32, #tpu.memory_space<vmem>>, vector<1x16xf32>,
      %swap3A_79 = vector.shape_cast %swap3A_78 : vector<1x16xf32> to vector<16xf32>
      %swap3A_80 = vector.shape_cast %broadcast_in_dim3A_1 : vector<16xf32> to vector<1x16xf32>
      tpu.vector_store %arg7[%swap3A_76, %swap3A_77], %swap3A_80 {strides = array<i32>} : memref<128x128xf32, #tpu.memory_space<vmem>>, vector<1x16xf32>,
    }
    %scan3A_6 = arith.constant 128 : i32
    %mul3A_7 = arith.constant 768 : i32
    %mul3A_8 = arith.muli %arg1, %mul3A_7 : i32
    %add3A_9 = arith.constant 0 : i32
    %add3A_10 = arith.addi %mul3A_8, %add3A_9 : i32
    "tpu.region"() ({
      %run_scoped3A_41 = tpu.sem_alloc : memref<!tpu.dma_semaphore, #tpu.memory_space<semaphore_mem>>
      %dma_start3A_42 = arith.constant 0 : i32
      %dma_start3A_43 = tpu.memref_slice %arg8[%add3A_10, %dma_start3A_42] : memref<12288x128xf32, #tpu.memory_space<vmem_shared>> -> memref<128x128xf32, #tpu.memory_space<vmem_shared>>
      %dma_start3A_44 = arith.constant 0 : i32
      %dma_start3A_45 = tpu.memref_slice %arg8[%add3A_10, %dma_start3A_44] : memref<12288x128xf32, #tpu.memory_space<vmem_shared>> -> memref<128x128xf32, #tpu.memory_space<vmem_shared>>
      tpu.enqueue_dma source(%arg7 : memref<128x128xf32, #tpu.memory_space<vmem>>) target(%dma_start3A_45 : memref<128x128xf32, #tpu.memory_space<vmem_shared>>) target_semaphore(%run_scoped3A_41 : memref<!tpu.dma_semaphore, #tpu.memory_space<semaphore_mem>>)
      %dma_wait3A_46 = arith.constant 0 : i32
      %dma_wait3A_47 = tpu.memref_slice %arg8[%add3A_10, %dma_wait3A_46] : memref<12288x128xf32, #tpu.memory_space<vmem_shared>> -> memref<128x128xf32, #tpu.memory_space<vmem_shared>>
      %dma_wait3A_48 = arith.constant 0 : i32
      %dma_wait3A_49 = tpu.memref_slice %arg8[%add3A_10, %dma_wait3A_48] : memref<12288x128xf32, #tpu.memory_space<vmem_shared>> -> memref<128x128xf32, #tpu.memory_space<vmem_shared>>
      tpu.wait_dma2 semaphore(%run_scoped3A_41 : memref<!tpu.dma_semaphore, #tpu.memory_space<semaphore_mem>>) src(%arg7 : memref<128x128xf32, #tpu.memory_space<vmem>>) dst(%dma_wait3A_49 : memref<128x128xf32, #tpu.memory_space<vmem_shared>>)
      tpu.yield
    }) : () -> ()
    %add3A_11 = arith.constant 128 : i32
    %add3A_12 = arith.addi %mul3A_8, %add3A_11 : i32
    "tpu.region"() ({
      %run_scoped3A_41 = tpu.sem_alloc : memref<!tpu.dma_semaphore, #tpu.memory_space<semaphore_mem>>
      %dma_start3A_42 = arith.constant 0 : i32
      %dma_start3A_43 = tpu.memref_slice %arg8[%add3A_12, %dma_start3A_42] : memref<12288x128xf32, #tpu.memory_space<vmem_shared>> -> memref<128x128xf32, #tpu.memory_space<vmem_shared>>
      %dma_start3A_44 = arith.constant 0 : i32
      %dma_start3A_45 = tpu.memref_slice %arg8[%add3A_12, %dma_start3A_44] : memref<12288x128xf32, #tpu.memory_space<vmem_shared>> -> memref<128x128xf32, #tpu.memory_space<vmem_shared>>
      tpu.enqueue_dma source(%arg7 : memref<128x128xf32, #tpu.memory_space<vmem>>) target(%dma_start3A_45 : memref<128x128xf32, #tpu.memory_space<vmem_shared>>) target_semaphore(%run_scoped3A_41 : memref<!tpu.dma_semaphore, #tpu.memory_space<semaphore_mem>>)
      %dma_wait3A_46 = arith.constant 0 : i32
      %dma_wait3A_47 = tpu.memref_slice %arg8[%add3A_12, %dma_wait3A_46] : memref<12288x128xf32, #tpu.memory_space<vmem_shared>> -> memref<128x128xf32, #tpu.memory_space<vmem_shared>>
      %dma_wait3A_48 = arith.constant 0 : i32
      %dma_wait3A_49 = tpu.memref_slice %arg8[%add3A_12, %dma_wait3A_48] : memref<12288x128xf32, #tpu.memory_space<vmem_shared>> -> memref<128x128xf32, #tpu.memory_space<vmem_shared>>
      tpu.wait_dma2 semaphore(%run_scoped3A_41 : memref<!tpu.dma_semaphore, #tpu.memory_space<semaphore_mem>>) src(%arg7 : memref<128x128xf32, #tpu.memory_space<vmem>>) dst(%dma_wait3A_49 : memref<128x128xf32, #tpu.memory_space<vmem_shared>>)
      tpu.yield
    }) : () -> ()
    %add3A_13 = arith.constant 256 : i32
    %add3A_14 = arith.addi %mul3A_8, %add3A_13 : i32
    "tpu.region"() ({
      %run_scoped3A_41 = tpu.sem_alloc : memref<!tpu.dma_semaphore, #tpu.memory_space<semaphore_mem>>
      %dma_start3A_42 = arith.constant 0 : i32
      %dma_start3A_43 = tpu.memref_slice %arg8[%add3A_14, %dma_start3A_42] : memref<12288x128xf32, #tpu.memory_space<vmem_shared>> -> memref<128x128xf32, #tpu.memory_space<vmem_shared>>
      %dma_start3A_44 = arith.constant 0 : i32
      %dma_start3A_45 = tpu.memref_slice %arg8[%add3A_14, %dma_start3A_44] : memref<12288x128xf32, #tpu.memory_space<vmem_shared>> -> memref<128x128xf32, #tpu.memory_space<vmem_shared>>
      tpu.enqueue_dma source(%arg7 : memref<128x128xf32, #tpu.memory_space<vmem>>) target(%dma_start3A_45 : memref<128x128xf32, #tpu.memory_space<vmem_shared>>) target_semaphore(%run_scoped3A_41 : memref<!tpu.dma_semaphore, #tpu.memory_space<semaphore_mem>>)
      %dma_wait3A_46 = arith.constant 0 : i32
      %dma_wait3A_47 = tpu.memref_slice %arg8[%add3A_14, %dma_wait3A_46] : memref<12288x128xf32, #tpu.memory_space<vmem_shared>> -> memref<128x128xf32, #tpu.memory_space<vmem_shared>>
      %dma_wait3A_48 = arith.constant 0 : i32
      %dma_wait3A_49 = tpu.memref_slice %arg8[%add3A_14, %dma_wait3A_48] : memref<12288x128xf32, #tpu.memory_space<vmem_shared>> -> memref<128x128xf32, #tpu.memory_space<vmem_shared>>
      tpu.wait_dma2 semaphore(%run_scoped3A_41 : memref<!tpu.dma_semaphore, #tpu.memory_space<semaphore_mem>>) src(%arg7 : memref<128x128xf32, #tpu.memory_space<vmem>>) dst(%dma_wait3A_49 : memref<128x128xf32, #tpu.memory_space<vmem_shared>>)
      tpu.yield
    }) : () -> ()
    %add3A_15 = arith.constant 384 : i32
    %add3A_16 = arith.addi %mul3A_8, %add3A_15 : i32
    "tpu.region"() ({
      %run_scoped3A_41 = tpu.sem_alloc : memref<!tpu.dma_semaphore, #tpu.memory_space<semaphore_mem>>
      %dma_start3A_42 = arith.constant 0 : i32
      %dma_start3A_43 = tpu.memref_slice %arg8[%add3A_16, %dma_start3A_42] : memref<12288x128xf32, #tpu.memory_space<vmem_shared>> -> memref<128x128xf32, #tpu.memory_space<vmem_shared>>
      %dma_start3A_44 = arith.constant 0 : i32
      %dma_start3A_45 = tpu.memref_slice %arg8[%add3A_16, %dma_start3A_44] : memref<12288x128xf32, #tpu.memory_space<vmem_shared>> -> memref<128x128xf32, #tpu.memory_space<vmem_shared>>
      tpu.enqueue_dma source(%arg7 : memref<128x128xf32, #tpu.memory_space<vmem>>) target(%dma_start3A_45 : memref<128x128xf32, #tpu.memory_space<vmem_shared>>) target_semaphore(%run_scoped3A_41 : memref<!tpu.dma_semaphore, #tpu.memory_space<semaphore_mem>>)
      %dma_wait3A_46 = arith.constant 0 : i32
      %dma_wait3A_47 = tpu.memref_slice %arg8[%add3A_16, %dma_wait3A_46] : memref<12288x128xf32, #tpu.memory_space<vmem_shared>> -> memref<128x128xf32, #tpu.memory_space<vmem_shared>>
      %dma_wait3A_48 = arith.constant 0 : i32
      %dma_wait3A_49 = tpu.memref_slice %arg8[%add3A_16, %dma_wait3A_48] : memref<12288x128xf32, #tpu.memory_space<vmem_shared>> -> memref<128x128xf32, #tpu.memory_space<vmem_shared>>
      tpu.wait_dma2 semaphore(%run_scoped3A_41 : memref<!tpu.dma_semaphore, #tpu.memory_space<semaphore_mem>>) src(%arg7 : memref<128x128xf32, #tpu.memory_space<vmem>>) dst(%dma_wait3A_49 : memref<128x128xf32, #tpu.memory_space<vmem_shared>>)
      tpu.yield
    }) : () -> ()
    %add3A_17 = arith.constant 512 : i32
    %add3A_18 = arith.addi %mul3A_8, %add3A_17 : i32
    "tpu.region"() ({
      %run_scoped3A_41 = tpu.sem_alloc : memref<!tpu.dma_semaphore, #tpu.memory_space<semaphore_mem>>
      %dma_start3A_42 = arith.constant 0 : i32
      %dma_start3A_43 = tpu.memref_slice %arg8[%add3A_18, %dma_start3A_42] : memref<12288x128xf32, #tpu.memory_space<vmem_shared>> -> memref<128x128xf32, #tpu.memory_space<vmem_shared>>
      %dma_start3A_44 = arith.constant 0 : i32
      %dma_start3A_45 = tpu.memref_slice %arg8[%add3A_18, %dma_start3A_44] : memref<12288x128xf32, #tpu.memory_space<vmem_shared>> -> memref<128x128xf32, #tpu.memory_space<vmem_shared>>
      tpu.enqueue_dma source(%arg7 : memref<128x128xf32, #tpu.memory_space<vmem>>) target(%dma_start3A_45 : memref<128x128xf32, #tpu.memory_space<vmem_shared>>) target_semaphore(%run_scoped3A_41 : memref<!tpu.dma_semaphore, #tpu.memory_space<semaphore_mem>>)
      %dma_wait3A_46 = arith.constant 0 : i32
      %dma_wait3A_47 = tpu.memref_slice %arg8[%add3A_18, %dma_wait3A_46] : memref<12288x128xf32, #tpu.memory_space<vmem_shared>> -> memref<128x128xf32, #tpu.memory_space<vmem_shared>>
      %dma_wait3A_48 = arith.constant 0 : i32
      %dma_wait3A_49 = tpu.memref_slice %arg8[%add3A_18, %dma_wait3A_48] : memref<12288x128xf32, #tpu.memory_space<vmem_shared>> -> memref<128x128xf32, #tpu.memory_space<vmem_shared>>
      tpu.wait_dma2 semaphore(%run_scoped3A_41 : memref<!tpu.dma_semaphore, #tpu.memory_space<semaphore_mem>>) src(%arg7 : memref<128x128xf32, #tpu.memory_space<vmem>>) dst(%dma_wait3A_49 : memref<128x128xf32, #tpu.memory_space<vmem_shared>>)
      tpu.yield
    }) : () -> ()
    %add3A_19 = arith.constant 640 : i32
    %add3A_20 = arith.addi %mul3A_8, %add3A_19 : i32
    "tpu.region"() ({
      %run_scoped3A_41 = tpu.sem_alloc : memref<!tpu.dma_semaphore, #tpu.memory_space<semaphore_mem>>
      %dma_start3A_42 = arith.constant 0 : i32
      %dma_start3A_43 = tpu.memref_slice %arg8[%add3A_20, %dma_start3A_42] : memref<12288x128xf32, #tpu.memory_space<vmem_shared>> -> memref<128x128xf32, #tpu.memory_space<vmem_shared>>
      %dma_start3A_44 = arith.constant 0 : i32
      %dma_start3A_45 = tpu.memref_slice %arg8[%add3A_20, %dma_start3A_44] : memref<12288x128xf32, #tpu.memory_space<vmem_shared>> -> memref<128x128xf32, #tpu.memory_space<vmem_shared>>
      tpu.enqueue_dma source(%arg7 : memref<128x128xf32, #tpu.memory_space<vmem>>) target(%dma_start3A_45 : memref<128x128xf32, #tpu.memory_space<vmem_shared>>) target_semaphore(%run_scoped3A_41 : memref<!tpu.dma_semaphore, #tpu.memory_space<semaphore_mem>>)
      %dma_wait3A_46 = arith.constant 0 : i32
      %dma_wait3A_47 = tpu.memref_slice %arg8[%add3A_20, %dma_wait3A_46] : memref<12288x128xf32, #tpu.memory_space<vmem_shared>> -> memref<128x128xf32, #tpu.memory_space<vmem_shared>>
      %dma_wait3A_48 = arith.constant 0 : i32
      %dma_wait3A_49 = tpu.memref_slice %arg8[%add3A_20, %dma_wait3A_48] : memref<12288x128xf32, #tpu.memory_space<vmem_shared>> -> memref<128x128xf32, #tpu.memory_space<vmem_shared>>
      tpu.wait_dma2 semaphore(%run_scoped3A_41 : memref<!tpu.dma_semaphore, #tpu.memory_space<semaphore_mem>>) src(%arg7 : memref<128x128xf32, #tpu.memory_space<vmem>>) dst(%dma_wait3A_49 : memref<128x128xf32, #tpu.memory_space<vmem_shared>>)
      tpu.yield
    }) : () -> ()
    %barrier3A = arith.constant 0 : index
    tpu.barrier barrier_id(%barrier3A)
    %run_scoped3A = arith.constant 0 : i32
    "tpu.region"() ({
      %run_scoped3A_41 = tpu.sem_alloc : memref<!tpu.dma_semaphore, #tpu.memory_space<semaphore_mem>>
      %dma_start3A_42 = arith.constant 0 : i32
      %dma_start3A_43 = arith.constant 0 : i32
      %dma_start3A_44 = tpu.memref_slice %arg3[%add3A, %run_scoped3A, %dma_start3A_42, %dma_start3A_43] : memref<32x79x2x128xi32, #tpu.memory_space<hbm>> -> memref<1x1x2x128xi32, #tpu.memory_space<hbm>>
      %dma_start3A_45 = tpu.memref_squeeze %dma_start3A_44 : memref<1x1x2x128xi32, #tpu.memory_space<hbm>> -> memref<2x128xi32, #tpu.memory_space<hbm>>
      %dma_start3A_46 = arith.constant 0 : i32
      %dma_start3A_47 = arith.constant 0 : i32
      %dma_start3A_48 = tpu.memref_slice %arg3[%add3A, %run_scoped3A, %dma_start3A_46, %dma_start3A_47] : memref<32x79x2x128xi32, #tpu.memory_space<hbm>> -> memref<1x1x2x128xi32, #tpu.memory_space<hbm>>
      %dma_start3A_49 = tpu.memref_squeeze %dma_start3A_48 : memref<1x1x2x128xi32, #tpu.memory_space<hbm>> -> memref<2x128xi32, #tpu.memory_space<hbm>>
      tpu.enqueue_dma source(%dma_start3A_49 : memref<2x128xi32, #tpu.memory_space<hbm>>) target(%arg5 : memref<2x128xi32, #tpu.memory_space<vmem>>) target_semaphore(%run_scoped3A_41 : memref<!tpu.dma_semaphore, #tpu.memory_space<semaphore_mem>>)
      %dma_wait3A_50 = arith.constant 0 : i32
      %dma_wait3A_51 = arith.constant 0 : i32
      %dma_wait3A_52 = tpu.memref_slice %arg3[%add3A, %run_scoped3A, %dma_wait3A_50, %dma_wait3A_51] : memref<32x79x2x128xi32, #tpu.memory_space<hbm>> -> memref<1x1x2x128xi32, #tpu.memory_space<hbm>>
      %dma_wait3A_53 = tpu.memref_squeeze %dma_wait3A_52 : memref<1x1x2x128xi32, #tpu.memory_space<hbm>> -> memref<2x128xi32, #tpu.memory_space<hbm>>
      %dma_wait3A_54 = arith.constant 0 : i32
      %dma_wait3A_55 = arith.constant 0 : i32
      %dma_wait3A_56 = tpu.memref_slice %arg3[%add3A, %run_scoped3A, %dma_wait3A_54, %dma_wait3A_55] : memref<32x79x2x128xi32, #tpu.memory_space<hbm>> -> memref<1x1x2x128xi32, #tpu.memory_space<hbm>>
      %dma_wait3A_57 = tpu.memref_squeeze %dma_wait3A_56 : memref<1x1x2x128xi32, #tpu.memory_space<hbm>> -> memref<2x128xi32, #tpu.memory_space<hbm>>
      tpu.wait_dma2 semaphore(%run_scoped3A_41 : memref<!tpu.dma_semaphore, #tpu.memory_space<semaphore_mem>>) src(%dma_wait3A_57 : memref<2x128xi32, #tpu.memory_space<hbm>>) dst(%arg5 : memref<2x128xi32, #tpu.memory_space<vmem>>)
      tpu.yield
    }) : () -> ()
    %scan3A_21 = arith.constant 0 : i32
    %scan3A_22 = arith.constant 0 : i32
    %scan3A_23 = arith.constant 39 : i32
    %scan3A_24 = arith.addi %scan3A_22, %scan3A_23 : i32
    %scan3A_25 = arith.constant 1 : i32
    scf.for %scan3A_41 = %scan3A_22 to %scan3A_24 step %scan3A_25  : i32 {
      %mul3A_42 = arith.constant 2 : i32
      %mul3A_43 = arith.muli %mul3A_42, %scan3A_41 : i32
      %add3A_44 = arith.constant 1 : i32
      %add3A_45 = arith.addi %mul3A_43, %add3A_44 : i32
      %dma_start3A_46 = arith.constant 0 : i32
      %dma_start3A_47 = arith.constant 0 : i32
      %dma_start3A_48 = tpu.memref_slice %arg3[%add3A, %add3A_45, %dma_start3A_46, %dma_start3A_47] : memref<32x79x2x128xi32, #tpu.memory_space<hbm>> -> memref<1x1x2x128xi32, #tpu.memory_space<hbm>>
      %dma_start3A_49 = tpu.memref_squeeze %dma_start3A_48 : memref<1x1x2x128xi32, #tpu.memory_space<hbm>> -> memref<2x128xi32, #tpu.memory_space<hbm>>
      %dma_start3A_50 = arith.constant 0 : i32
      %dma_start3A_51 = arith.constant 0 : i32
      %dma_start3A_52 = tpu.memref_slice %arg3[%add3A, %add3A_45, %dma_start3A_50, %dma_start3A_51] : memref<32x79x2x128xi32, #tpu.memory_space<hbm>> -> memref<1x1x2x128xi32, #tpu.memory_space<hbm>>
      %dma_start3A_53 = tpu.memref_squeeze %dma_start3A_52 : memref<1x1x2x128xi32, #tpu.memory_space<hbm>> -> memref<2x128xi32, #tpu.memory_space<hbm>>
      tpu.enqueue_dma source(%dma_start3A_53 : memref<2x128xi32, #tpu.memory_space<hbm>>) target(%arg6 : memref<2x128xi32, #tpu.memory_space<vmem>>) target_semaphore(%arg10 : memref<!tpu.dma_semaphore, #tpu.memory_space<semaphore_mem>>)
      %dma_start3A_54 = arith.constant 0 : i32
      %dma_start3A_55 = arith.constant 0 : i32
      %dma_start3A_56 = tpu.memref_slice %arg5[%dma_start3A_54, %dma_start3A_55] : memref<2x128xi32, #tpu.memory_space<vmem>> -> memref<1x128xi32, #tpu.memory_space<vmem>>
      %dma_start3A_57 = tpu.memref_squeeze %dma_start3A_56 : memref<1x128xi32, #tpu.memory_space<vmem>> -> memref<128xi32, #tpu.memory_space<vmem>>
      %dma_start3A_58 = arith.constant 0 : i32
      %dma_start3A_59 = arith.constant 0 : i32
      %dma_start3A_60 = tpu.memref_slice %arg2[%dma_start3A_58, %dma_start3A_59] : memref<10000x128xf32, #tpu.memory_space<hbm>> -> memref<10000x128xf32, #tpu.memory_space<hbm>>
      tpu.enqueue_indirect_dma source(%dma_start3A_60 : memref<10000x128xf32, #tpu.memory_space<hbm>>) target(%arg7 : memref<128x128xf32, #tpu.memory_space<vmem>>) offsets(%dma_start3A_57 : memref<128xi32, #tpu.memory_space<vmem>>) semaphore(%arg9 : memref<!tpu.dma_semaphore, #tpu.memory_space<semaphore_mem>>)
      %dma_wait3A_61 = arith.constant 0 : i32
      %dma_wait3A_62 = arith.constant 0 : i32
      %dma_wait3A_63 = tpu.memref_slice %arg5[%dma_wait3A_61, %dma_wait3A_62] : memref<2x128xi32, #tpu.memory_space<vmem>> -> memref<1x128xi32, #tpu.memory_space<vmem>>
      %dma_wait3A_64 = tpu.memref_squeeze %dma_wait3A_63 : memref<1x128xi32, #tpu.memory_space<vmem>> -> memref<128xi32, #tpu.memory_space<vmem>>
      %dma_wait3A_65 = arith.constant 0 : i32
      %dma_wait3A_66 = arith.constant 0 : i32
      %dma_wait3A_67 = tpu.memref_slice %arg2[%dma_wait3A_65, %dma_wait3A_66] : memref<10000x128xf32, #tpu.memory_space<hbm>> -> memref<10000x128xf32, #tpu.memory_space<hbm>>
      tpu.wait_indirect_dma semaphore(%arg9 : memref<!tpu.dma_semaphore, #tpu.memory_space<semaphore_mem>>) src(%dma_wait3A_67 : memref<10000x128xf32, #tpu.memory_space<hbm>>) dst(%arg7 : memref<128x128xf32, #tpu.memory_space<vmem>>)
      %run_scoped3A_68 = arith.constant 1 : i32
      "tpu.region"() ({
        %run_scoped3A_112 = tpu.sem_alloc : memref<!tpu.dma_semaphore, #tpu.memory_space<semaphore_mem>>
        %dma_start3A_113 = arith.constant 0 : i32
        %dma_start3A_114 = tpu.memref_slice %arg5[%run_scoped3A_68, %dma_start3A_113] : memref<2x128xi32, #tpu.memory_space<vmem>> -> memref<1x128xi32, #tpu.memory_space<vmem>>
        %dma_start3A_115 = tpu.memref_squeeze %dma_start3A_114 : memref<1x128xi32, #tpu.memory_space<vmem>> -> memref<128xi32, #tpu.memory_space<vmem>>
        %dma_start3A_116 = arith.constant 0 : i32
        %dma_start3A_117 = arith.constant 0 : i32
        %dma_start3A_118 = tpu.memref_slice %arg8[%dma_start3A_116, %dma_start3A_117] : memref<12288x128xf32, #tpu.memory_space<vmem_shared>> -> memref<12288x128xf32, #tpu.memory_space<vmem_shared>>
        tpu.enqueue_indirect_dma source(%arg7 : memref<128x128xf32, #tpu.memory_space<vmem>>) target(%dma_start3A_118 : memref<12288x128xf32, #tpu.memory_space<vmem_shared>>) offsets(%dma_start3A_115 : memref<128xi32, #tpu.memory_space<vmem>>) semaphore(%run_scoped3A_112 : memref<!tpu.dma_semaphore, #tpu.memory_space<semaphore_mem>>) {add = true}
        %dma_wait3A_119 = arith.constant 0 : i32
        %dma_wait3A_120 = tpu.memref_slice %arg5[%run_scoped3A_68, %dma_wait3A_119] : memref<2x128xi32, #tpu.memory_space<vmem>> -> memref<1x128xi32, #tpu.memory_space<vmem>>
        %dma_wait3A_121 = tpu.memref_squeeze %dma_wait3A_120 : memref<1x128xi32, #tpu.memory_space<vmem>> -> memref<128xi32, #tpu.memory_space<vmem>>
        %dma_wait3A_122 = arith.constant 0 : i32
        %dma_wait3A_123 = arith.constant 0 : i32
        %dma_wait3A_124 = tpu.memref_slice %arg8[%dma_wait3A_122, %dma_wait3A_123] : memref<12288x128xf32, #tpu.memory_space<vmem_shared>> -> memref<12288x128xf32, #tpu.memory_space<vmem_shared>>
        tpu.wait_indirect_dma semaphore(%run_scoped3A_112 : memref<!tpu.dma_semaphore, #tpu.memory_space<semaphore_mem>>) src(%arg7 : memref<128x128xf32, #tpu.memory_space<vmem>>) dst(%dma_wait3A_124 : memref<12288x128xf32, #tpu.memory_space<vmem_shared>>)
        tpu.yield
      }) : () -> ()
      %dma_wait3A_69 = arith.constant 0 : i32
      %dma_wait3A_70 = arith.constant 0 : i32
      %dma_wait3A_71 = arith.constant 0 : i32
      %dma_wait3A_72 = tpu.memref_slice %arg3[%add3A, %dma_wait3A_69, %dma_wait3A_70, %dma_wait3A_71] : memref<32x79x2x128xi32, #tpu.memory_space<hbm>> -> memref<1x1x2x128xi32, #tpu.memory_space<hbm>>
      %dma_wait3A_73 = tpu.memref_squeeze %dma_wait3A_72 : memref<1x1x2x128xi32, #tpu.memory_space<hbm>> -> memref<2x128xi32, #tpu.memory_space<hbm>>
      %dma_wait3A_74 = arith.constant 0 : i32
      %dma_wait3A_75 = arith.constant 0 : i32
      %dma_wait3A_76 = tpu.memref_slice %arg3[%add3A, %dma_wait3A_69, %dma_wait3A_74, %dma_wait3A_75] : memref<32x79x2x128xi32, #tpu.memory_space<hbm>> -> memref<1x1x2x128xi32, #tpu.memory_space<hbm>>
      %dma_wait3A_77 = tpu.memref_squeeze %dma_wait3A_76 : memref<1x1x2x128xi32, #tpu.memory_space<hbm>> -> memref<2x128xi32, #tpu.memory_space<hbm>>
      tpu.wait_dma2 semaphore(%arg10 : memref<!tpu.dma_semaphore, #tpu.memory_space<semaphore_mem>>) src(%dma_wait3A_77 : memref<2x128xi32, #tpu.memory_space<hbm>>) dst(%arg6 : memref<2x128xi32, #tpu.memory_space<vmem>>)
      %add3A_78 = arith.constant 2 : i32
      %add3A_79 = arith.addi %mul3A_43, %add3A_78 : i32
      %dma_start3A_80 = arith.constant 0 : i32
      %dma_start3A_81 = arith.constant 0 : i32
      %dma_start3A_82 = tpu.memref_slice %arg3[%add3A, %add3A_79, %dma_start3A_80, %dma_start3A_81] : memref<32x79x2x128xi32, #tpu.memory_space<hbm>> -> memref<1x1x2x128xi32, #tpu.memory_space<hbm>>
      %dma_start3A_83 = tpu.memref_squeeze %dma_start3A_82 : memref<1x1x2x128xi32, #tpu.memory_space<hbm>> -> memref<2x128xi32, #tpu.memory_space<hbm>>
      %dma_start3A_84 = arith.constant 0 : i32
      %dma_start3A_85 = arith.constant 0 : i32
      %dma_start3A_86 = tpu.memref_slice %arg3[%add3A, %add3A_79, %dma_start3A_84, %dma_start3A_85] : memref<32x79x2x128xi32, #tpu.memory_space<hbm>> -> memref<1x1x2x128xi32, #tpu.memory_space<hbm>>
      %dma_start3A_87 = tpu.memref_squeeze %dma_start3A_86 : memref<1x1x2x128xi32, #tpu.memory_space<hbm>> -> memref<2x128xi32, #tpu.memory_space<hbm>>
      tpu.enqueue_dma source(%dma_start3A_87 : memref<2x128xi32, #tpu.memory_space<hbm>>) target(%arg5 : memref<2x128xi32, #tpu.memory_space<vmem>>) target_semaphore(%arg10 : memref<!tpu.dma_semaphore, #tpu.memory_space<semaphore_mem>>)
      %dma_start3A_88 = arith.constant 0 : i32
      %dma_start3A_89 = arith.constant 0 : i32
      %dma_start3A_90 = tpu.memref_slice %arg6[%dma_start3A_88, %dma_start3A_89] : memref<2x128xi32, #tpu.memory_space<vmem>> -> memref<1x128xi32, #tpu.memory_space<vmem>>
      %dma_start3A_91 = tpu.memref_squeeze %dma_start3A_90 : memref<1x128xi32, #tpu.memory_space<vmem>> -> memref<128xi32, #tpu.memory_space<vmem>>
      %dma_start3A_92 = arith.constant 0 : i32
      %dma_start3A_93 = arith.constant 0 : i32
      %dma_start3A_94 = tpu.memref_slice %arg2[%dma_start3A_92, %dma_start3A_93] : memref<10000x128xf32, #tpu.memory_space<hbm>> -> memref<10000x128xf32, #tpu.memory_space<hbm>>
      tpu.enqueue_indirect_dma source(%dma_start3A_94 : memref<10000x128xf32, #tpu.memory_space<hbm>>) target(%arg7 : memref<128x128xf32, #tpu.memory_space<vmem>>) offsets(%dma_start3A_91 : memref<128xi32, #tpu.memory_space<vmem>>) semaphore(%arg9 : memref<!tpu.dma_semaphore, #tpu.memory_space<semaphore_mem>>)
      %dma_wait3A_95 = arith.constant 0 : i32
      %dma_wait3A_96 = arith.constant 0 : i32
      %dma_wait3A_97 = tpu.memref_slice %arg6[%dma_wait3A_95, %dma_wait3A_96] : memref<2x128xi32, #tpu.memory_space<vmem>> -> memref<1x128xi32, #tpu.memory_space<vmem>>
      %dma_wait3A_98 = tpu.memref_squeeze %dma_wait3A_97 : memref<1x128xi32, #tpu.memory_space<vmem>> -> memref<128xi32, #tpu.memory_space<vmem>>
      %dma_wait3A_99 = arith.constant 0 : i32
      %dma_wait3A_100 = arith.constant 0 : i32
      %dma_wait3A_101 = tpu.memref_slice %arg2[%dma_wait3A_99, %dma_wait3A_100] : memref<10000x128xf32, #tpu.memory_space<hbm>> -> memref<10000x128xf32, #tpu.memory_space<hbm>>
      tpu.wait_indirect_dma semaphore(%arg9 : memref<!tpu.dma_semaphore, #tpu.memory_space<semaphore_mem>>) src(%dma_wait3A_101 : memref<10000x128xf32, #tpu.memory_space<hbm>>) dst(%arg7 : memref<128x128xf32, #tpu.memory_space<vmem>>)
      %run_scoped3A_102 = arith.constant 1 : i32
      "tpu.region"() ({
        %run_scoped3A_112 = tpu.sem_alloc : memref<!tpu.dma_semaphore, #tpu.memory_space<semaphore_mem>>
        %dma_start3A_113 = arith.constant 0 : i32
        %dma_start3A_114 = tpu.memref_slice %arg6[%run_scoped3A_102, %dma_start3A_113] : memref<2x128xi32, #tpu.memory_space<vmem>> -> memref<1x128xi32, #tpu.memory_space<vmem>>
        %dma_start3A_115 = tpu.memref_squeeze %dma_start3A_114 : memref<1x128xi32, #tpu.memory_space<vmem>> -> memref<128xi32, #tpu.memory_space<vmem>>
        %dma_start3A_116 = arith.constant 0 : i32
        %dma_start3A_117 = arith.constant 0 : i32
        %dma_start3A_118 = tpu.memref_slice %arg8[%dma_start3A_116, %dma_start3A_117] : memref<12288x128xf32, #tpu.memory_space<vmem_shared>> -> memref<12288x128xf32, #tpu.memory_space<vmem_shared>>
        tpu.enqueue_indirect_dma source(%arg7 : memref<128x128xf32, #tpu.memory_space<vmem>>) target(%dma_start3A_118 : memref<12288x128xf32, #tpu.memory_space<vmem_shared>>) offsets(%dma_start3A_115 : memref<128xi32, #tpu.memory_space<vmem>>) semaphore(%run_scoped3A_112 : memref<!tpu.dma_semaphore, #tpu.memory_space<semaphore_mem>>) {add = true}
        %dma_wait3A_119 = arith.constant 0 : i32
        %dma_wait3A_120 = tpu.memref_slice %arg6[%run_scoped3A_102, %dma_wait3A_119] : memref<2x128xi32, #tpu.memory_space<vmem>> -> memref<1x128xi32, #tpu.memory_space<vmem>>
        %dma_wait3A_121 = tpu.memref_squeeze %dma_wait3A_120 : memref<1x128xi32, #tpu.memory_space<vmem>> -> memref<128xi32, #tpu.memory_space<vmem>>
        %dma_wait3A_122 = arith.constant 0 : i32
        %dma_wait3A_123 = arith.constant 0 : i32
        %dma_wait3A_124 = tpu.memref_slice %arg8[%dma_wait3A_122, %dma_wait3A_123] : memref<12288x128xf32, #tpu.memory_space<vmem_shared>> -> memref<12288x128xf32, #tpu.memory_space<vmem_shared>>
        tpu.wait_indirect_dma semaphore(%run_scoped3A_112 : memref<!tpu.dma_semaphore, #tpu.memory_space<semaphore_mem>>) src(%arg7 : memref<128x128xf32, #tpu.memory_space<vmem>>) dst(%dma_wait3A_124 : memref<12288x128xf32, #tpu.memory_space<vmem_shared>>)
        tpu.yield
      }) : () -> ()
      %dma_wait3A_103 = arith.constant 0 : i32
      %dma_wait3A_104 = arith.constant 0 : i32
      %dma_wait3A_105 = arith.constant 0 : i32
      %dma_wait3A_106 = tpu.memref_slice %arg3[%add3A, %dma_wait3A_103, %dma_wait3A_104, %dma_wait3A_105] : memref<32x79x2x128xi32, #tpu.memory_space<hbm>> -> memref<1x1x2x128xi32, #tpu.memory_space<hbm>>
      %dma_wait3A_107 = tpu.memref_squeeze %dma_wait3A_106 : memref<1x1x2x128xi32, #tpu.memory_space<hbm>> -> memref<2x128xi32, #tpu.memory_space<hbm>>
      %dma_wait3A_108 = arith.constant 0 : i32
      %dma_wait3A_109 = arith.constant 0 : i32
      %dma_wait3A_110 = tpu.memref_slice %arg3[%add3A, %dma_wait3A_103, %dma_wait3A_108, %dma_wait3A_109] : memref<32x79x2x128xi32, #tpu.memory_space<hbm>> -> memref<1x1x2x128xi32, #tpu.memory_space<hbm>>
      %dma_wait3A_111 = tpu.memref_squeeze %dma_wait3A_110 : memref<1x1x2x128xi32, #tpu.memory_space<hbm>> -> memref<2x128xi32, #tpu.memory_space<hbm>>
      tpu.wait_dma2 semaphore(%arg10 : memref<!tpu.dma_semaphore, #tpu.memory_space<semaphore_mem>>) src(%dma_wait3A_111 : memref<2x128xi32, #tpu.memory_space<hbm>>) dst(%arg5 : memref<2x128xi32, #tpu.memory_space<vmem>>)
    }
    %scan3A_26 = arith.constant 39 : i32
    %dma_start3A = arith.constant 0 : i32
    %dma_start3A_27 = arith.constant 0 : i32
    %dma_start3A_28 = tpu.memref_slice %arg5[%dma_start3A, %dma_start3A_27] : memref<2x128xi32, #tpu.memory_space<vmem>> -> memref<1x128xi32, #tpu.memory_space<vmem>>
    %dma_start3A_29 = tpu.memref_squeeze %dma_start3A_28 : memref<1x128xi32, #tpu.memory_space<vmem>> -> memref<128xi32, #tpu.memory_space<vmem>>
    %dma_start3A_30 = arith.constant 0 : i32
    %dma_start3A_31 = arith.constant 0 : i32
    %dma_start3A_32 = tpu.memref_slice %arg2[%dma_start3A_30, %dma_start3A_31] : memref<10000x128xf32, #tpu.memory_space<hbm>> -> memref<10000x128xf32, #tpu.memory_space<hbm>>
    tpu.enqueue_indirect_dma source(%dma_start3A_32 : memref<10000x128xf32, #tpu.memory_space<hbm>>) target(%arg7 : memref<128x128xf32, #tpu.memory_space<vmem>>) offsets(%dma_start3A_29 : memref<128xi32, #tpu.memory_space<vmem>>) semaphore(%arg9 : memref<!tpu.dma_semaphore, #tpu.memory_space<semaphore_mem>>)
    %dma_wait3A = arith.constant 0 : i32
    %dma_wait3A_33 = arith.constant 0 : i32
    %dma_wait3A_34 = tpu.memref_slice %arg5[%dma_wait3A, %dma_wait3A_33] : memref<2x128xi32, #tpu.memory_space<vmem>> -> memref<1x128xi32, #tpu.memory_space<vmem>>
    %dma_wait3A_35 = tpu.memref_squeeze %dma_wait3A_34 : memref<1x128xi32, #tpu.memory_space<vmem>> -> memref<128xi32, #tpu.memory_space<vmem>>
    %dma_wait3A_36 = arith.constant 0 : i32
    %dma_wait3A_37 = arith.constant 0 : i32
    %dma_wait3A_38 = tpu.memref_slice %arg2[%dma_wait3A_36, %dma_wait3A_37] : memref<10000x128xf32, #tpu.memory_space<hbm>> -> memref<10000x128xf32, #tpu.memory_space<hbm>>
    tpu.wait_indirect_dma semaphore(%arg9 : memref<!tpu.dma_semaphore, #tpu.memory_space<semaphore_mem>>) src(%dma_wait3A_38 : memref<10000x128xf32, #tpu.memory_space<hbm>>) dst(%arg7 : memref<128x128xf32, #tpu.memory_space<vmem>>)
    %run_scoped3A_39 = arith.constant 1 : i32
    "tpu.region"() ({
      %run_scoped3A_41 = tpu.sem_alloc : memref<!tpu.dma_semaphore, #tpu.memory_space<semaphore_mem>>
      %dma_start3A_42 = arith.constant 0 : i32
      %dma_start3A_43 = tpu.memref_slice %arg5[%run_scoped3A_39, %dma_start3A_42] : memref<2x128xi32, #tpu.memory_space<vmem>> -> memref<1x128xi32, #tpu.memory_space<vmem>>
      %dma_start3A_44 = tpu.memref_squeeze %dma_start3A_43 : memref<1x128xi32, #tpu.memory_space<vmem>> -> memref<128xi32, #tpu.memory_space<vmem>>
      %dma_start3A_45 = arith.constant 0 : i32
      %dma_start3A_46 = arith.constant 0 : i32
      %dma_start3A_47 = tpu.memref_slice %arg8[%dma_start3A_45, %dma_start3A_46] : memref<12288x128xf32, #tpu.memory_space<vmem_shared>> -> memref<12288x128xf32, #tpu.memory_space<vmem_shared>>
      tpu.enqueue_indirect_dma source(%arg7 : memref<128x128xf32, #tpu.memory_space<vmem>>) target(%dma_start3A_47 : memref<12288x128xf32, #tpu.memory_space<vmem_shared>>) offsets(%dma_start3A_44 : memref<128xi32, #tpu.memory_space<vmem>>) semaphore(%run_scoped3A_41 : memref<!tpu.dma_semaphore, #tpu.memory_space<semaphore_mem>>) {add = true}
      %dma_wait3A_48 = arith.constant 0 : i32
      %dma_wait3A_49 = tpu.memref_slice %arg5[%run_scoped3A_39, %dma_wait3A_48] : memref<2x128xi32, #tpu.memory_space<vmem>> -> memref<1x128xi32, #tpu.memory_space<vmem>>
      %dma_wait3A_50 = tpu.memref_squeeze %dma_wait3A_49 : memref<1x128xi32, #tpu.memory_space<vmem>> -> memref<128xi32, #tpu.memory_space<vmem>>
      %dma_wait3A_51 = arith.constant 0 : i32
      %dma_wait3A_52 = arith.constant 0 : i32
      %dma_wait3A_53 = tpu.memref_slice %arg8[%dma_wait3A_51, %dma_wait3A_52] : memref<12288x128xf32, #tpu.memory_space<vmem_shared>> -> memref<12288x128xf32, #tpu.memory_space<vmem_shared>>
      tpu.wait_indirect_dma semaphore(%run_scoped3A_41 : memref<!tpu.dma_semaphore, #tpu.memory_space<semaphore_mem>>) src(%arg7 : memref<128x128xf32, #tpu.memory_space<vmem>>) dst(%dma_wait3A_53 : memref<12288x128xf32, #tpu.memory_space<vmem_shared>>)
      tpu.yield
    }) : () -> ()
    %barrier3A_40 = arith.constant 0 : index
    tpu.barrier barrier_id(%barrier3A_40)
    "tpu.region"() ({
      %run_scoped3A_41 = tpu.sem_alloc : memref<!tpu.dma_semaphore, #tpu.memory_space<semaphore_mem>>
      %dma_start3A_42 = arith.constant 0 : i32
      %dma_start3A_43 = tpu.memref_slice %arg4[%arg0, %mul3A_8, %dma_start3A_42] : memref<2x12288x128xf32, #tpu.memory_space<hbm>> -> memref<1x768x128xf32, #tpu.memory_space<hbm>>
      %dma_start3A_44 = tpu.memref_squeeze %dma_start3A_43 : memref<1x768x128xf32, #tpu.memory_space<hbm>> -> memref<768x128xf32, #tpu.memory_space<hbm>>
      %dma_start3A_45 = arith.constant 0 : i32
      %dma_start3A_46 = tpu.memref_slice %arg8[%mul3A_8, %dma_start3A_45] : memref<12288x128xf32, #tpu.memory_space<vmem_shared>> -> memref<768x128xf32, #tpu.memory_space<vmem_shared>>
      tpu.enqueue_dma source(%dma_start3A_46 : memref<768x128xf32, #tpu.memory_space<vmem_shared>>) target(%dma_start3A_44 : memref<768x128xf32, #tpu.memory_space<hbm>>) target_semaphore(%run_scoped3A_41 : memref<!tpu.dma_semaphore, #tpu.memory_space<semaphore_mem>>)
      %dma_wait3A_47 = arith.constant 0 : i32
      %dma_wait3A_48 = tpu.memref_slice %arg4[%arg0, %mul3A_8, %dma_wait3A_47] : memref<2x12288x128xf32, #tpu.memory_space<hbm>> -> memref<1x768x128xf32, #tpu.memory_space<hbm>>
      %dma_wait3A_49 = tpu.memref_squeeze %dma_wait3A_48 : memref<1x768x128xf32, #tpu.memory_space<hbm>> -> memref<768x128xf32, #tpu.memory_space<hbm>>
      %dma_wait3A_50 = arith.constant 0 : i32
      %dma_wait3A_51 = tpu.memref_slice %arg8[%mul3A_8, %dma_wait3A_50] : memref<12288x128xf32, #tpu.memory_space<vmem_shared>> -> memref<768x128xf32, #tpu.memory_space<vmem_shared>>
      tpu.wait_dma2 semaphore(%run_scoped3A_41 : memref<!tpu.dma_semaphore, #tpu.memory_space<semaphore_mem>>) src(%dma_wait3A_51 : memref<768x128xf32, #tpu.memory_space<vmem_shared>>) dst(%dma_wait3A_49 : memref<768x128xf32, #tpu.memory_space<hbm>>)
      tpu.yield
    }) : () -> ()
    return
  }
}

module attributes {stable_mosaic.version = 14 : i64} {
  func.func @_mm_body(%arg0: i32, %arg1: memref<1000x128xf32, #tpu.memory_space<vmem>>, %arg2: memref<128x128xf32, #tpu.memory_space<vmem>>, %arg3: memref<1000x128xf32, #tpu.memory_space<vmem>>) attributes {dimension_semantics = [#tpu.dimension_semantics<arbitrary>], iteration_bounds = array<i64: 10>, scalar_prefetch = 0 : i64, scratch_operands = 0 : i64, tpu.core_type = #tpu.core_type<tc>, window_params = [{transform_indices = @transform_0, window_bounds = array<i64: 1000, 128>}, {pipeline_mode = #tpu.pipeline_mode<synchronous>, transform_indices = @transform_1, window_bounds = array<i64: 128, 128>}, {transform_indices = @transform_2, window_bounds = array<i64: 1000, 128>}]} {
    %get3A = arith.constant 0 : index
    %get3A_0 = arith.constant 0 : index
    %get3A_1 = vector.load %arg1[%get3A, %get3A_0] : memref<1000x128xf32, #tpu.memory_space<vmem>>, vector<1000x128xf32>
    %get3A_2 = arith.constant 0 : index
    %get3A_3 = arith.constant 0 : index
    %get3A_4 = vector.load %arg2[%get3A_2, %get3A_3] : memref<128x128xf32, #tpu.memory_space<vmem>>, vector<128x128xf32>
    %dot_general3A = arith.constant dense<0.000000e+00> : vector<1000x128xf32>
    %dot_general3A_5 = tpu.matmul %get3A_1, %get3A_4, %dot_general3A {dimension_numbers = #tpu.dot_dimension_numbers<[1], [0], [0], [1], [0, 0, 1, 1], [], []>, transpose_lhs_hint = false} : vector<1000x128xf32>, vector<128x128xf32>, vector<1000x128xf32> -> vector<1000x128xf32>
    %swap3A = arith.constant 0 : index
    %swap3A_6 = arith.constant 0 : index
    %swap3A_7 = vector.load %arg3[%swap3A, %swap3A_6] : memref<1000x128xf32, #tpu.memory_space<vmem>>, vector<1000x128xf32>
    tpu.vector_store %arg3[%swap3A, %swap3A_6], %dot_general3A_5 {strides = array<i32>} : memref<1000x128xf32, #tpu.memory_space<vmem>>, vector<1000x128xf32>,
    return
  }
  func.func @transform_0(%arg0: i32) -> (i32, i32) {
    %c0_i32 = arith.constant 0 : i32
    %c0_i32_0 = arith.constant 0 : i32
    return %arg0, %c0_i32 : i32, i32
  }
  func.func @transform_1(%arg0: i32) -> (i32, i32) {
    %c0_i32 = arith.constant 0 : i32
    %c0_i32_0 = arith.constant 0 : i32
    %c0_i32_1 = arith.constant 0 : i32
    return %c0_i32, %c0_i32_0 : i32, i32
  }
  func.func @transform_2(%arg0: i32) -> (i32, i32) {
    %c0_i32 = arith.constant 0 : i32
    %c0_i32_0 = arith.constant 0 : i32
    return %arg0, %c0_i32 : i32, i32
  }
}

module attributes {stable_mosaic.version = 14 : i64} {
  func.func @_combine_body(%arg0: i32, %arg1: memref<2x1000x128xf32, #tpu.memory_space<vmem>>, %arg2: memref<1000x128xf32, #tpu.memory_space<vmem>>) attributes {dimension_semantics = [#tpu.dimension_semantics<arbitrary>], iteration_bounds = array<i64: 10>, scalar_prefetch = 0 : i64, scratch_operands = 0 : i64, tpu.core_type = #tpu.core_type<tc>, window_params = [{transform_indices = @transform_0, window_bounds = array<i64: 2, 1000, 128>}, {transform_indices = @transform_1, window_bounds = array<i64: 1000, 128>}]} {
    %get3A = arith.constant 0 : index
    %get3A_0 = arith.constant 0 : index
    %get3A_1 = arith.constant 0 : index
    %get3A_2 = vector.load %arg1[%get3A, %get3A_0, %get3A_1] : memref<2x1000x128xf32, #tpu.memory_space<vmem>>, vector<1x1000x128xf32>
    %get3A_3 = vector.shape_cast %get3A_2 : vector<1x1000x128xf32> to vector<1000x128xf32>
    %get3A_4 = arith.constant 1 : index
    %get3A_5 = arith.constant 0 : index
    %get3A_6 = arith.constant 0 : index
    %get3A_7 = vector.load %arg1[%get3A_4, %get3A_5, %get3A_6] : memref<2x1000x128xf32, #tpu.memory_space<vmem>>, vector<1x1000x128xf32>
    %get3A_8 = vector.shape_cast %get3A_7 : vector<1x1000x128xf32> to vector<1000x128xf32>
    %add3A = arith.addf %get3A_3, %get3A_8 : vector<1000x128xf32>
    %swap3A = arith.constant 0 : index
    %swap3A_9 = arith.constant 0 : index
    %swap3A_10 = vector.load %arg2[%swap3A, %swap3A_9] : memref<1000x128xf32, #tpu.memory_space<vmem>>, vector<1000x128xf32>
    tpu.vector_store %arg2[%swap3A, %swap3A_9], %add3A {strides = array<i32>} : memref<1000x128xf32, #tpu.memory_space<vmem>>, vector<1000x128xf32>,
    return
  }
  func.func @transform_0(%arg0: i32) -> (i32, i32, i32) {
    %c0_i32 = arith.constant 0 : i32
    %c0_i32_0 = arith.constant 0 : i32
    %c0_i32_1 = arith.constant 0 : i32
    return %c0_i32, %arg0, %c0_i32_0 : i32, i32, i32
  }
  func.func @transform_1(%arg0: i32) -> (i32, i32) {
    %c0_i32 = arith.constant 0 : i32
    %c0_i32_0 = arith.constant 0 : i32
    return %arg0, %c0_i32 : i32, i32
  }
}

</mosaic_0001>

<sc_bundles>
// kernel: kernel.5.cloned.1.call-start
scs
__scs_entry_jumppad:
0x0: {  	(pc) =	sbr.rel $0x88, $3  }
0x1: {  	(tag) =	ssettag $0x0;
	lr =	simm.s32 $0x1  }
0x2: {  	[smem:$0x3F9E] =	sst lr;
	_ =	strace $0xD0000000  }
0x3: {  	_ = 	snop  }
0x4: {  	_ = 	snop  }
0x5: {  	_ = 	snop  }
0x6: {  	_ = 	snop  }
0x7: {  	_ = 	snop  }
__scs_overlays_trampoline_lowered:
0x8: {  	[smem:$0x3FAD] =	sst s0  }
0x9: {  	[smem:$0x3FAE] =	sst s1  }
0xa: {  	[smem:$0x3FAF] =	sst s2  }
0xb: {  	[smem:$0x3FB0] =	sst s3  }
0xc: {  	[smem:$0x3FB1] =	sst s4  }
0xd: {  	[smem:$0x3FB2] =	sst s5  }
0xe: {  	[smem:$0x3FB3] =	sst s6  }
0xf: {  	[smem:$0x3FB4] =	sst s7  }
0x10: {  	[smem:$0x3FB5] =	sst s8  }
0x11: {  	[smem:$0x3FB6] =	sst s9;
	s0 =	simm.s32 @!p0 $0x0  }
0x12: {  	s1 =	sld [smem:$0x3F9C];
	s0 =	simm.s32 @p0 $0x1  }
0x13: {  	[smem:$0x3FB7] =	sst s0;
	s0 =	simm.s32 @!p1 $0x0  }
0x14: {  	s2 =	sld [smem:$0x3F9B];
	s0 =	simm.s32 @p1 $0x1  }
0x15: {  	[smem:$0x3FB8] =	sst s0;
	s0 =	simm.s32 @!p2 $0x0  }
0x16: {  	s3 =	sld [smem:$0x3FDB];
	s0 =	simm.s32 @p2 $0x1  }
0x17: {  	s4 =	simm.s32 $0x1BF5;
	[smem:$0x3FBA] =	sst s0  }
0x18: {  	s0 =	sld [smem:$0x3F9D];
	_ =	swait.ge [sflag:s4], $0x0  }
0x19: {  	s7 =	sld [smem:$0x3F9E]  }
0x1a: {  	s8 =	sadd.s32 $0xFFFFE003, lr  }
0x1b: {  	s9 =	sadd.s32 $0xFFFFFEF7, lr;
	s5 =	simm.s32 $0xFFFFFFFF;
	p2 =	slt.u32 s8, $0xFFFFF086  }
0x1c: {  	p1 =	slt.u32 s9, $0xF7A;
	s5 =	simm.s32 @!p2 $0x0  }
0x1d: {  	s5 =	simm.s32 @p1 $0x1;
	p0 =	seq.s32 s7, s2  }
0x1e: {  	s7 =	smul.u32 @!p0 $0xF7A, s2;
	p2 =	seq.s32 @!p0 s5, $0x0  }
0x1f: {  	s9 =	smul.u32 $0xF7A, s1;
	s8 =	simm.s32 @!p0 $0x1BF5;
	p2 =	por !p2, p0  }
0x20: {  	[sflag:s8] =	ssyncset.s32 @!p0 $0xFFFFF086;
	s6 =	sadd.s32 @!p0 s3, s7;
	s7 =	simm.s32 @!p0 $0x108  }
0x21: {  	s3 =	sadd.s32 s3, s9;
	s6 =	sadd.s32 @!p0 $0x88, s6;
	s7 =	simm.s32 @p2 $0x1082  }
0x22: {  	[simem:s7], [sflag:s8] =	dma.local @!p0 [hbm:s6], $0xF7A  }
0x23: {  	s9 =	sor.u32 $0xD0000000, s2;
	s6 =	simm.s32 $0x108;
	_ =	swait.ge @!p0 [sflag:s8], $0x0  }
0x24: {  	s3 =	sadd.s32 $0x88, s3;
	s6 =	simm.s32 @!p1 $0x1082;
	[sflag:s4] =	ssyncset.s32 $0xFFFFF086  }
0x25: {  	[simem:s6], [sflag:s4] =	dma.local [hbm:s3], $0xF7A  }
0x26: {  	[smem:$0x3F9E] =	sst s1;
	(tag) =	ssettag s2;
	_ =	strace s9  }
0x27: {  	s1 =	sld [smem:$0x3FAE]  }
0x28: {  	s2 =	sld [smem:$0x3FAF]  }
0x29: {  	s4 =	sld [smem:$0x3FB1]  }
0x2a: {  	p0 =	seq.s32 s5, $0x0;
	s5 =	sld [smem:$0x3FB2]  }
0x2b: {  	s6 =	sld [smem:$0x3FB3]  }
0x2c: {  	s7 =	sld [smem:$0x3FB4]  }
0x2d: {  	s3 =	simm.s32 $0x108;
	s8 =	sld [smem:$0x3FB5]  }
0x2e: {  	s3 =	simm.s32 @!p0 $0x1082;
	s9 =	sld [smem:$0x3FB6]  }
0x2f: {  	lr =	sadd.s32 s0, s3;
	s0 =	sld [smem:$0x3FAD]  }
0x30: {  	s3 =	sld [smem:$0x3FB0]  }
0x31: {  	[smem:$0x3FB9] =	sst s10  }
0x32: {  	s10 =	sld [smem:$0x3FB7];
	_ =	sdelay $0x3  }
0x33: {  	p0 =	seq.s32 s10, $0x1;
	s10 =	sld [smem:$0x3FB9];
	_ =	sdelay $0x3  }
0x34: {  	[smem:$0x3FB9] =	sst s10  }
0x35: {  	s10 =	sld [smem:$0x3FB8];
	_ =	sdelay $0x3  }
0x36: {  	p1 =	seq.s32 s10, $0x1;
	s10 =	sld [smem:$0x3FB9];
	_ =	sdelay $0x3  }
0x37: {  	[smem:$0x3FB9] =	sst s10  }
0x38: {  	s10 =	sld [smem:$0x3FBA]  }
0x39: {  	_ = 	snop;
	(pc) =	sbr.ind lr, $3  }
0x3a: {  	_ = 	snop  }
0x3b: {  	_ = 	snop  }
0x3c: {  	p2 =	seq.s32 s10, $0x1;
	s10 =	sld [smem:$0x3FB9]  }
0x3d: {  	_ =	shalt  }
0x3e: {  	_ =	shalt  }
0x3f: {  	_ =	shalt  }
0x40: {  	_ =	shalt  }
0x41: {  	_ =	shalt  }
0x42: {  	_ =	shalt  }
0x43: {  	_ =	shalt  }
0x44: {  	_ =	shalt  }
0x45: {  	_ =	shalt  }
0x46: {  	_ =	shalt  }
0x47: {  	_ =	shalt  }
0x48: {  	_ =	shalt  }
0x49: {  	_ =	shalt  }
0x4a: {  	_ =	shalt  }
0x4b: {  	_ =	shalt  }
0x4c: {  	_ =	shalt  }
0x4d: {  	_ =	shalt  }
0x4e: {  	_ =	shalt  }
0x4f: {  	_ =	shalt  }
0x50: {  	_ =	shalt  }
0x51: {  	_ =	shalt  }
0x52: {  	_ =	shalt  }
0x53: {  	_ =	shalt  }
0x54: {  	_ =	shalt  }
0x55: {  	_ =	shalt  }
0x56: {  	_ =	shalt  }
0x57: {  	_ =	shalt  }
0x58: {  	_ =	shalt  }
0x59: {  	_ =	shalt  }
0x5a: {  	_ =	shalt  }
0x5b: {  	_ =	shalt  }
0x5c: {  	_ =	shalt  }
0x5d: {  	_ =	shalt  }
0x5e: {  	_ =	shalt  }
0x5f: {  	_ =	shalt  }
0x60: {  	_ =	shalt  }
0x61: {  	_ =	shalt  }
0x62: {  	_ =	shalt  }
0x63: {  	_ =	shalt  }
0x64: {  	_ =	shalt  }
0x65: {  	_ =	shalt  }
0x66: {  	_ =	shalt  }
0x67: {  	_ =	shalt  }
0x68: {  	_ =	shalt  }
0x69: {  	_ =	shalt  }
0x6a: {  	_ =	shalt  }
0x6b: {  	_ =	shalt  }
0x6c: {  	_ =	shalt  }
0x6d: {  	_ =	shalt  }
0x6e: {  	_ =	shalt  }
0x6f: {  	_ =	shalt  }
0x70: {  	_ =	shalt  }
0x71: {  	_ =	shalt  }
0x72: {  	_ =	shalt  }
0x73: {  	_ =	shalt  }
0x74: {  	_ =	shalt  }
0x75: {  	_ =	shalt  }
0x76: {  	_ =	shalt  }
0x77: {  	_ =	shalt  }
0x78: {  	_ =	shalt  }
0x79: {  	_ =	shalt  }
0x7a: {  	_ =	shalt  }
0x7b: {  	_ =	shalt  }
0x7c: {  	_ =	shalt  }
0x7d: {  	_ =	shalt  }
0x7e: {  	_ =	shalt  }
0x7f: {  	_ =	shalt  }
0x80: {  	_ =	shalt  }
0x81: {  	_ =	shalt  }
0x82: {  	_ =	shalt  }
0x83: {  	_ =	shalt  }
0x84: {  	_ =	shalt  }
0x85: {  	_ =	shalt  }
0x86: {  	_ =	shalt  }
0x87: {  	_ =	shalt  }
.Lfunc_end0:
.L_simem_size_0:
called_computation_lowered:
.L_overlay_start_0:
0x88: {  	s2 =	sld [smem:$0x3FD9]  }
0x89: {  	s3 =	sld [smem:$0x3FFE];
	_ =	sdelay $0x1  }
0x8a: {  	s1 =	srdreg.scid  }
0x8b: {  	s0 =	sand.u32 $0x1, s1  }
0x8c: {  	s17 =	sshll.u32 s0, $0xA;
	s2 =	sadd.s32 s3, s2  }
0x8d: {  	s2 =	sadd.s32 s2, s17  }
0x8e: {  	[smem:$0x3FC5] =	sst s2  }
0x8f: {  	_ = 	snop  }
0x90: {  	s2 =	sld [smem:$0x3FD0];
	(tm) =	ssettm $0x1  }
0x91: {  	s18 =	sld [smem:$0x3FFB];
	_ =	sdelay $0x3  }
0x92: {  	_ =	strace s18  }
0x93: {  	s3 =	sld [smem:$0x3FFC];
	_ =	sdelay $0x3  }
0x94: {  	_ =	strace s3  }
0x95: {  	s3 =	sld [smem:$0x3FFD];
	_ =	sdelay $0x3  }
0x96: {  	_ =	strace s3  }
0x97: {  	_ =	strace $0x8FFFFFFF  }
0x98: {  	s19 =	sld [smem:$0x3FDB];
	_ =	sdelay $0x1  }
0x99: {  	s4 =	simm.s32 $_scs_section_size  }
0x9a: {  	s5 =	simm.s32 $_size__tile_overlayer_lowered;
	s6 =	simm.s32 $_tile_overlayer_lowered  }
0x9b: {  	s22 =	simm.s32 $0x1BFF;
	s21 =	sshll.u32 s6, $0x1;
	s3 =	sadd.s32 s4, s19  }
0x9c: {  	s7 =	simm.s32 $0x0;
	s20 =	sshll.u32 s5, $0x1;
	s5 =	sadd.s32 s21, s3  }
0x9d: {  	[timem:s7], [sflag:s22] =	dma.local [hbm:s5], s20  }
0x9e: {  	_ =	swait.ge [sflag:s22], s20  }
0x9f: {  	s4 =	ssub.s32 $0x0, s20;
	[sflag:s22] =	ssyncset.done $0x0  }
0xa0: {  	[sflag:s22] =	ssyncadd.s32 s4;
	_ =	sdelay $0x1  }
0xa1: {  	s23 =	simm.s32 $0x1B8B  }
0xa2: {  	_ =	swait.ge [sflag:s23], $0x1  }
0xa3: {  	[sflag:s23] =	ssyncset.done $0x0  }
0xa4: {  	s25 =	simm.s32 $0x1B8E;
	s24 =	sld [smem:$0x3FFE];
	[sflag:s23] =	ssyncadd.s32 $0xFFFFFFFF  }
0xa5: {  	s26 =	simm.s32 $execute0_lowered;
	[smem:$0x3FD2] =	sst s25  }
0xa6: {  	s5 =	sshll.u32 s26, $0x1;
	_ =	strace $0x80000046;
	[dreg:$0x1] =	wrdreg $0xFFFFFFFF  }
0xa7: {  	s28 =	simm.s32 $_size_execute0_lowered;
	s3 =	sadd.s32 s3, s5;
	[dreg:$0x0] =	wrdreg $0x0  }
0xa8: {  	s5 =	sshll.u32 s28, $0x1;
	[dreg:$0x2] =	wrdreg s3  }
0xa9: {  	[dreg:$0x3] =	wrdreg s5  }
0xaa: {  	[dreg:$0x4] =	wrdreg $0xC0  }
0xab: {  	_ =	task [dreg:s7], $0x5FFFF  }
0xac: {  	[dreg:$0x1] =	wrdreg $0xFFFFFFFF  }
0xad: {  	[dreg:$0x0] =	wrdreg $0x60  }
0xae: {  	[dreg:$0x2] =	wrdreg s2  }
0xaf: {  	[dreg:$0x3] =	wrdreg s24  }
0xb0: {  	[dreg:$0x4] =	wrdreg $0x42000  }
0xb1: {  	[dreg:$0x5] =	wrdreg $0x9  }
0xb2: {  	_ =	task.clear_ibuf [dreg:s7], $0x6FFFF;
	_ =	strace $0x90000046  }
0xb3: {  	s29 =	simm.s32 $0x9;
	_ =	strace $0x80000048  }
0xb4: {  	_ =	swait.ge [sflag:s29], $0x1  }
0xb5: {  	[sflag:s29] =	ssyncadd.s32 $0xFFFFFFFF  }
0xb6: {  	_ =	strace $0x90000048  }
0xb7: {  	_ =	sfence  }
0xb8: {  	s30 =	sld [smem:$0x0];
	_ =	sdelay $0x2  }
0xb9: {  	s31 =	sshll.u32 s1, $0xD;
	s1 =	sshrl.u32 s1, $0x2  }
0xba: {  	s3 =	sand.u32 $0x4000, s31;
	s1 =	sadd.s32 s1, s30  }
0xbb: {  	s0 =	sor.u32 s3, s0;
	s1 =	sshll.u32 s1, $0x11  }
0xbc: {  	s0 =	sor.u32 s1, s0  }
0xbd: {  	s0 =	sadd.s32 $0x8F2B, s0  }
0xbe: {  	[sflag:s0] =	ssyncadd.remote.s32 $0x1  }
0xbf: {  	_ =	sfence.sel $0xFFFF  }
0xc0: {  	[dreg:$0x0] =	wrdreg $0xFFFFFFFF;
	(pc) =	sbr.abs _section_cstart, $3  }
0xc1: {  	[dreg:$0x1] =	wrdreg $0xFFFFFFFF  }
0xc2: {  	_ =	task.clear_ibuf [dreg:s7], $0x2FFFF;
	_ =	strace $0x9FFFFFFF  }
0xc3: {  	(tm) =	ssettm $0x7FFFFFFF  }
tec
execute0_lowered:
.L_overlay_start_1:
0x0: {  	(tag) =	ssettag $0x1  }
0x1: {  	s0 =	rddreg [dreg:$0x0]  }
0x2: {  	s6 =	rddreg [dreg:$0x1]  }
0x3: {  	s1 =	srdreg.scid;
	s3 =	rddreg [dreg:$0x2]  }
0x4: {  	s2 =	stileid.u32;
	s4 =	simm.s32 $0x0;
	s18 =	simm.s32 $0x3  }
0x5: {  	s19 =	simm.s32 $0x100;
	s20 =	simm.s32 $0x80;
	s21 =	simm.s32 $0x1  }
0x6: {  	s22 =	simm.s32 $0x2;
	s23 =	simm.s32 $0x180;
	s7 =	smul.u32 $0x18000, s2  }
0x7: {  	s8 =	sand.u32 $0x1, s1;
	s1 =	rddreg [dreg:$0x3];
	s10 =	smul.u32 $0x60000, s2  }
0x8: {  	s24 =	simm.s32 $0x0;
	[smem:$0x7FF] =	sst s4;
	s14 =	smul.u32 $0x9E00, s2  }
0x9: {  	s9 =	sshll.u32 s2, $0x1;
	s5 =	smul.u32 $0x180000, s8;
	_ =	strace $0x80000047  }
0xa: {  	s26 =	sor.u32 s8, s9;
	s28 =	ssub.s32 $0x2, s8;
	s16 =	smul.u32 $0x4F00, s8  }
0xb: {  	s29 =	sshrl.u32 s10, $0x2;
	s12 =	smul.u32 $0x4F00, s26;
	s30 =	sshrl.u32 s28, $0x1  }
0xc: {  	s5 =	sadd.s32 s7, s5;
	s15 =	ssub.s32 s28, s30;
	s16 =	sadd.s32 s16, s14  }
0xd: {  	s7 =	sshrl.u32 s5, $0x3;
	s5 =	sadd.s32 $0xA00, s6;
	s12 =	sshrl.u32 s12, $0x3  }
0xe: {  	s17 =	sadd.s32 $0x100, s16;
	s14 =	smax.u32 s15, $0x1;
	s15 =	sadd.s32 $0x200, s16  }
0xf: {  	s13 =	sadd.s32 s7, s6;
	s6 =	sadd.s32 s29, s3;
	s12 =	sadd.s32 s5, s12  }
0x10: {  	s31 =	sshrl.u32 s17, $0x3;
	s17 =	simm.s32 $0x200;
	s7 =	sadd.s32 $0x4000, s6  }
0x11: {  	s8 =	sadd.s32 $0x8000, s6;
	s9 =	sadd.s32 $0xC000, s6;
	s10 =	sadd.s32 $0x10000, s6  }
0x12: {  	v0 =	vimm.f32 $0.0e+00;
	s11 =	sadd.s32 $0x14000, s6;
	s13 =	sadd.s32 $0x14600, s13;
	s16 =	sadd.s32 s31, s5  }
.LBB2_1:
0x13: {  	s25 =	simm.s32 $0x0;
	s26 =	simm.s32 $0x200  }
.LBB2_2:
0x14: {  	p0 =	sne.s32 s26, $0xFE00;
	[tilespmem:s25+$0x270] =	vst v0  }
0x15: {  	[tilespmem:s25+$0x200] =	vst v0  }
0x16: {  	[tilespmem:s25+$0x210] =	vst v0  }
.Ltmp0:
0x17: {  	[tilespmem:s25+$0x220] =	vst v0;
	(pc) =	sbr.rel @p0 .LBB2_2-.Ltmp0, $4  }
0x18: {  	[tilespmem:s25+$0x230] =	vst v0  }
0x19: {  	[tilespmem:s25+$0x240] =	vst v0  }
0x1a: {  	[tilespmem:s25+$0x250] =	vst v0  }
0x1b: {  	[tilespmem:s25+$0x260] =	vst v0;
	s25 =	sshra.s32 s26, $0x2;
	s26 =	sadd.s32 $0x200, s26  }
0x1c: {  	[tilespmem:s25+$0x270] =	vst v0  }
0x1d: {  	[tilespmem:s25+$0x200] =	vst v0  }
0x1e: {  	[tilespmem:s25+$0x210] =	vst v0  }
0x1f: {  	[tilespmem:s25+$0x220] =	vst v0  }
0x20: {  	[tilespmem:s25+$0x230] =	vst v0  }
0x21: {  	[tilespmem:s25+$0x240] =	vst v0  }
0x22: {  	[tilespmem:s25+$0x250] =	vst v0  }
0x23: {  	[tilespmem:s25+$0x260] =	vst v0  }
0x24: {  	[spmem:s6] =	stream.linear.scatter [tilespmem:s17], [sflag:$0x3], $0x4000, $0x38;
	[tilespmem:$0x1C200] =	vst v63  }
0x25: {  	_ =	swait.ge [sflag:s18], $0x4000  }
0x26: {  	[sflag:s18] =	ssyncset.done $0x0  }
0x27: {  	[sflag:s18] =	ssyncadd.s32 $0xFFFFC000  }
0x28: {  	[spmem:s7] =	stream.linear.scatter [tilespmem:s17], [sflag:$0x3], $0x4000, $0x38;
	[tilespmem:$0x1C200] =	vst v63  }
0x29: {  	_ =	swait.ge [sflag:s18], $0x4000  }
0x2a: {  	[sflag:s18] =	ssyncset.done $0x0  }
0x2b: {  	[sflag:s18] =	ssyncadd.s32 $0xFFFFC000  }
0x2c: {  	[spmem:s8] =	stream.linear.scatter [tilespmem:s17], [sflag:$0x3], $0x4000, $0x38;
	[tilespmem:$0x1C200] =	vst v63  }
0x2d: {  	_ =	swait.ge [sflag:s18], $0x4000  }
0x2e: {  	[sflag:s18] =	ssyncset.done $0x0  }
0x2f: {  	[sflag:s18] =	ssyncadd.s32 $0xFFFFC000  }
0x30: {  	[spmem:s9] =	stream.linear.scatter [tilespmem:s17], [sflag:$0x3], $0x4000, $0x38;
	[tilespmem:$0x1C200] =	vst v63  }
0x31: {  	_ =	swait.ge [sflag:s18], $0x4000  }
0x32: {  	[sflag:s18] =	ssyncset.done $0x0  }
0x33: {  	[sflag:s18] =	ssyncadd.s32 $0xFFFFC000  }
0x34: {  	[spmem:s10] =	stream.linear.scatter [tilespmem:s17], [sflag:$0x3], $0x4000, $0x38;
	[tilespmem:$0x1C200] =	vst v63  }
0x35: {  	_ =	swait.ge [sflag:s18], $0x4000  }
0x36: {  	[sflag:s18] =	ssyncset.done $0x0  }
0x37: {  	[sflag:s18] =	ssyncadd.s32 $0xFFFFC000  }
0x38: {  	[spmem:s11] =	stream.linear.scatter [tilespmem:s17], [sflag:$0x3], $0x4000, $0x38;
	[tilespmem:$0x1C200] =	vst v63  }
0x39: {  	_ =	swait.ge [sflag:s18], $0x4000  }
0x3a: {  	[sflag:s18] =	ssyncset.done $0x0  }
0x3b: {  	[sflag:s18] =	ssyncadd.s32 $0xFFFFC000  }
0x3c: {  	s29 =	simm.s32 $0x0;
	[bflag:$0x0] =	sbarrier.arrive $0xFFFF  }
0x3d: {  	[tilespmem:s29], [sflag:$0x3] =	stream.linear.gather [hbm4b:s12+s29], $0x100, $0x38;
	[tilespmem:$0x1C200] =	vst v63  }
0x3e: {  	_ =	swait.ge [sflag:s18], $0x100  }
0x3f: {  	[sflag:s18] =	ssyncset.done $0x0  }
0x40: {  	s30 =	sadd.s32 $0x0, s16;
	[sflag:s18] =	ssyncadd.s32 $0xFFFFFF00  }
0x41: {  	[tilespmem:s19], [sflag:$0x2] =	stream.linear.gather [hbm4b:s30+s4], $0x100, $0x38;
	[tilespmem:$0x1C200] =	vst v63  }
0x42: {  	_ = 	snop  }
0x43: {  	[tilespmem:s17], [sflag:$0x1] =	stream.indirect.gather [hbm4b:s0+s20], $0x80, s4, s20, $0xb8;
	[tilespmem:$0x1C200] =	vst v63  }
0x44: {  	_ =	swait.ge [sflag:s21], $0x4000  }
0x45: {  	[sflag:s21] =	ssyncset.done $0x0  }
0x46: {  	[sflag:s21] =	ssyncadd.s32 $0xFFFFC000  }
0x47: {  	[spmem:s3] =	stream.indirect.scatter.add.f32 [tilespmem:s17], [sflag:$0x3], $0x80, s20, s20, $0xb8;
	[tilespmem:$0x1C200] =	vst v63  }
0x48: {  	_ =	swait.ge [sflag:s18], $0x4000  }
0x49: {  	[sflag:s18] =	ssyncset.done $0x0  }
0x4a: {  	[sflag:s18] =	ssyncadd.s32 $0xFFFFC000  }
0x4b: {  	_ =	swait.ge [sflag:s22], $0x100  }
0x4c: {  	s31 =	sshrl.u32 s15, $0x3;
	[sflag:s22] =	ssyncset.done $0x0  }
0x4d: {  	s25 =	sadd.s32 s5, s31;
	[sflag:s22] =	ssyncadd.s32 $0xFFFFFF00  }
0x4e: {  	[tilespmem:s4], [sflag:$0x2] =	stream.linear.gather [hbm4b:s25+s4], $0x100, $0x38;
	[tilespmem:$0x1C200] =	vst v63  }
0x4f: {  	_ = 	snop  }
0x50: {  	[tilespmem:s17], [sflag:$0x1] =	stream.indirect.gather [hbm4b:s0+s20], $0x80, s19, s20, $0xb8;
	[tilespmem:$0x1C200] =	vst v63  }
0x51: {  	_ =	swait.ge [sflag:s21], $0x4000  }
0x52: {  	[sflag:s21] =	ssyncset.done $0x0  }
0x53: {  	[sflag:s21] =	ssyncadd.s32 $0xFFFFC000  }
0x54: {  	[spmem:s3] =	stream.indirect.scatter.add.f32 [tilespmem:s17], [sflag:$0x3], $0x80, s23, s20, $0xb8;
	[tilespmem:$0x1C200] =	vst v63  }
0x55: {  	_ =	swait.ge [sflag:s18], $0x4000  }
0x56: {  	[sflag:s18] =	ssyncset.done $0x0  }
0x57: {  	[sflag:s18] =	ssyncadd.s32 $0xFFFFC000  }
0x58: {  	s26 =	simm.s32 $0x40;
	_ =	swait.ge [sflag:s22], $0x100  }
0x59: {  	s28 =	simm.s32 $0x80;
	s25 =	sadd.s32 $0x200, s15;
	[sflag:s22] =	ssyncset.done $0x0  }
.LBB2_4:
0x5a: {  	s29 =	sadd.s32 s26, s16  }
0x5b: {  	[sflag:s22] =	ssyncadd.s32 $0xFFFFFF00;
	s26 =	smov.u32 s28;
	s30 =	sadd.s32 $0x40, s28  }
0x5c: {  	[tilespmem:s19], [sflag:$0x2] =	stream.linear.gather [hbm4b:s29+s4], $0x100, $0x38;
	[tilespmem:$0x1C200] =	vst v63  }
0x5d: {  	p0 =	sne.s32 s28, $0x980  }
0x5e: {  	[tilespmem:s17], [sflag:$0x1] =	stream.indirect.gather [hbm4b:s0+s20], $0x80, s4, s20, $0xb8;
	[tilespmem:$0x1C200] =	vst v63  }
0x5f: {  	_ =	swait.ge [sflag:s21], $0x4000  }
0x60: {  	[sflag:s21] =	ssyncset.done $0x0  }
0x61: {  	[sflag:s21] =	ssyncadd.s32 $0xFFFFC000  }
0x62: {  	[spmem:s3] =	stream.indirect.scatter.add.f32 [tilespmem:s17], [sflag:$0x3], $0x80, s20, s20, $0xb8;
	[tilespmem:$0x1C200] =	vst v63  }
0x63: {  	_ =	swait.ge [sflag:s18], $0x4000  }
0x64: {  	[sflag:s18] =	ssyncset.done $0x0  }
0x65: {  	[sflag:s18] =	ssyncadd.s32 $0xFFFFC000  }
0x66: {  	_ =	swait.ge [sflag:s22], $0x100  }
0x67: {  	s28 =	sshrl.u32 s25, $0x3;
	[sflag:s22] =	ssyncset.done $0x0  }
0x68: {  	s28 =	sadd.s32 s5, s28;
	[sflag:s22] =	ssyncadd.s32 $0xFFFFFF00  }
0x69: {  	[tilespmem:s4], [sflag:$0x2] =	stream.linear.gather [hbm4b:s28+s4], $0x100, $0x38;
	[tilespmem:$0x1C200] =	vst v63  }
0x6a: {  	_ = 	snop  }
0x6b: {  	[tilespmem:s17], [sflag:$0x1] =	stream.indirect.gather [hbm4b:s0+s20], $0x80, s19, s20, $0xb8;
	[tilespmem:$0x1C200] =	vst v63  }
0x6c: {  	_ =	swait.ge [sflag:s21], $0x4000  }
0x6d: {  	[sflag:s21] =	ssyncset.done $0x0  }
0x6e: {  	[sflag:s21] =	ssyncadd.s32 $0xFFFFC000  }
0x6f: {  	[spmem:s3] =	stream.indirect.scatter.add.f32 [tilespmem:s17], [sflag:$0x3], $0x80, s23, s20, $0xb8;
	[tilespmem:$0x1C200] =	vst v63  }
.Ltmp1:
0x70: {  	_ =	swait.ge [sflag:s18], $0x4000;
	(pc) =	sbr.rel @p0 .LBB2_4-.Ltmp1, $4  }
0x71: {  	[sflag:s18] =	ssyncset.done $0x0  }
0x72: {  	[sflag:s18] =	ssyncadd.s32 $0xFFFFC000  }
0x73: {  	_ =	swait.ge [sflag:s22], $0x100  }
0x74: {  	s25 =	sadd.s32 $0x200, s25;
	s28 =	smov.u32 s30;
	[sflag:s22] =	ssyncset.done $0x0  }
0x75: {  	s26 =	sadd.s32 s26, s16;
	[sflag:s22] =	ssyncadd.s32 $0xFFFFFF00  }
0x76: {  	[tilespmem:s19], [sflag:$0x2] =	stream.linear.gather [hbm4b:s26+s4], $0x100, $0x38;
	[tilespmem:$0x1C200] =	vst v63  }
0x77: {  	_ = 	snop  }
0x78: {  	[tilespmem:s17], [sflag:$0x1] =	stream.indirect.gather [hbm4b:s0+s20], $0x80, s4, s20, $0xb8;
	[tilespmem:$0x1C200] =	vst v63  }
0x79: {  	_ =	swait.ge [sflag:s21], $0x4000  }
0x7a: {  	[sflag:s21] =	ssyncset.done $0x0  }
0x7b: {  	[sflag:s21] =	ssyncadd.s32 $0xFFFFC000  }
0x7c: {  	[spmem:s3] =	stream.indirect.scatter.add.f32 [tilespmem:s17], [sflag:$0x3], $0x80, s20, s20, $0xb8;
	[tilespmem:$0x1C200] =	vst v63  }
0x7d: {  	_ =	swait.ge [sflag:s18], $0x4000  }
0x7e: {  	[sflag:s18] =	ssyncset.done $0x0  }
0x7f: {  	[sflag:s18] =	ssyncadd.s32 $0xFFFFC000  }
0x80: {  	_ =	swait.ge [sflag:s22], $0x100  }
0x81: {  	s25 =	sshrl.u32 s25, $0x3;
	[sflag:s22] =	ssyncset.done $0x0  }
0x82: {  	s25 =	sadd.s32 s5, s25;
	[sflag:s22] =	ssyncadd.s32 $0xFFFFFF00  }
0x83: {  	[tilespmem:s4], [sflag:$0x2] =	stream.linear.gather [hbm4b:s25+s4], $0x100, $0x38;
	[tilespmem:$0x1C200] =	vst v63  }
0x84: {  	_ = 	snop  }
0x85: {  	[tilespmem:s17], [sflag:$0x1] =	stream.indirect.gather [hbm4b:s0+s20], $0x80, s19, s20, $0xb8;
	[tilespmem:$0x1C200] =	vst v63  }
0x86: {  	_ =	swait.ge [sflag:s21], $0x4000  }
0x87: {  	[sflag:s21] =	ssyncset.done $0x0  }
0x88: {  	[sflag:s21] =	ssyncadd.s32 $0xFFFFC000  }
0x89: {  	[spmem:s3] =	stream.indirect.scatter.add.f32 [tilespmem:s17], [sflag:$0x3], $0x80, s23, s20, $0xb8;
	[tilespmem:$0x1C200] =	vst v63  }
0x8a: {  	_ =	swait.ge [sflag:s18], $0x4000  }
0x8b: {  	[sflag:s18] =	ssyncset.done $0x0  }
0x8c: {  	[sflag:s18] =	ssyncadd.s32 $0xFFFFC000  }
0x8d: {  	_ =	swait.ge [sflag:s22], $0x100  }
0x8e: {  	[sflag:s22] =	ssyncset.done $0x0  }
0x8f: {  	[sflag:s22] =	ssyncadd.s32 $0xFFFFFF00  }
0x90: {  	[tilespmem:s17], [sflag:$0x1] =	stream.indirect.gather [hbm4b:s0+s20], $0x80, s4, s20, $0xb8;
	[tilespmem:$0x1C200] =	vst v63  }
0x91: {  	_ =	swait.ge [sflag:s21], $0x4000  }
0x92: {  	[sflag:s21] =	ssyncset.done $0x0  }
0x93: {  	[sflag:s21] =	ssyncadd.s32 $0xFFFFC000  }
0x94: {  	[spmem:s3] =	stream.indirect.scatter.add.f32 [tilespmem:s17], [sflag:$0x3], $0x80, s20, s20, $0xb8;
	[tilespmem:$0x1C200] =	vst v63  }
0x95: {  	_ =	swait.ge [sflag:s18], $0x4000  }
0x96: {  	s30 =	sshll.u32 s2, $0x6;
	s24 =	sadd.s32 $0x1, s24;
	[sflag:s18] =	ssyncset.done $0x0  }
0x97: {  	s31 =	sshrl.u32 s6, $0x3;
	p0 =	sne.s32 s24, s14;
	[sflag:s18] =	ssyncadd.s32 $0xFFFFC000  }
.Ltmp2:
0x98: {  	s25 =	sor.u32 $0x1C03, s30;
	[bflag:$0x0] =	sbarrier.arrive $0xFFFF;
	(pc) =	sbr.rel @p0 .LBB2_1-.Ltmp2, $4  }
0x99: {  	[hbm:s13], [sflag:s25] =	dma.local [spmem:s31], $0x3000  }
0x9a: {  	_ =	swait.ge [sflag:s18], $0x3000  }
0x9b: {  	[sflag:s18] =	ssyncset.done $0x0  }
0x9c: {  	[sflag:s18] =	ssyncadd.s32 $0xFFFFD000  }
0x9d: {  	_ =	sfence.sel $0x180000  }
0x9e: {  	[bflag:$0x0] =	sbarrier.arrive $0xFFFF  }
0x9f: {  	p0 =	sne.s32 s2, $0x0;
	_ =	strace $0x90000047  }
0xa0: {  	s0 =	sadd.s32 @!p0 $0x100000, s1;
	[bflag:$0x2] =	sbarrier.arrive $0xFFFF  }
0xa1: {  	[sflag:s0] =	ssyncadd.tile.s32 @!p0 $0x1;
	_ =	shalt  }
.Lfunc_end2:
_tile_overlayer_lowered:
.L_overlay_start_2:
0xa2: {  	(tag) =	ssettag $0x2  }
0xa3: {  	s0 =	rddreg [dreg:$0x0];
	s2 =	stileid.u32  }
0xa4: {  	s1 =	rddreg [dreg:$0x1];
	p0 =	sne.s32 s2, $0x0  }
0xa5: {  	s3 =	rddreg [dreg:$0x2];
	[bflag:$0x3] =	sbarrier.arrive $0xFFFF;
	s2 =	simm.s32 @!p0 $0x1C03  }
0xa6: {  	[timem:s3], [sflag:s2] =	dma.local @!p0 [hbm:s0], s1  }
0xa7: {  	s0 =	simm.s32 @!p0 $0x3  }
0xa8: {  	_ =	swait.ge @!p0 [sflag:s0], s1  }
0xa9: {  	s1 =	ssub.s32 @!p0 $0x0, s1;
	[sflag:s0] =	ssyncset.done @!p0 $0x0  }
0xaa: {  	[sflag:s0] =	ssyncadd.s32 @!p0 s1  }
0xab: {  	[bflag:$0x3] =	sbarrier.arrive $0xFFFF  }
0xac: {  	_ =	shalt  }

</sc_bundles>
